<compile_context>
chip_gen: v7x
topology: tpu7x:2x2x1
jax: 0.10.2.dev20260603
libtpu: 0.0.44.dev20260713+nightly
codegen_flags: <defaults>
</compile_context>

<pallas_src>
import functools

import jax
import jax.numpy as jnp
from jax import lax
from jax.experimental import pallas as pl
from jax.experimental.pallas import tpu as pltpu
from jax.experimental.pallas import tpu_sc as plsc

_NW = 32
_CHUNK = 128
_NBUF = 8


@jax.jit
def kernel(x, table):
    b, l = x.shape
    total = b * l
    dim = table.shape[1]
    per_w = total // _NW
    nchunk = per_w // _CHUNK
    ngrp = nchunk // _NBUF
    flat_idx = x.reshape(total).astype(jnp.int32)

    mesh = plsc.VectorSubcoreMesh(core_axis_name="c", subcore_axis_name="s")

    @functools.partial(
        pl.kernel,
        mesh=mesh,
        out_type=jax.ShapeDtypeStruct((total, dim), jnp.float32),
        scratch_types=[
            pltpu.VMEM((per_w,), jnp.int32),
            pltpu.VMEM((_NBUF, _CHUNK, dim), jnp.float32),
            [pltpu.SemaphoreType.DMA] * _NBUF,
            [pltpu.SemaphoreType.DMA] * _NBUF,
        ],
        compiler_params=pltpu.CompilerParams(use_tc_tiling_on_sc=False),
    )
    def gather_kernel(idx_hbm, table_hbm, out_hbm, idx_v, rows_v, gsems, ssems):
        wid = lax.axis_index("s") * 2 + lax.axis_index("c")
        base = wid * per_w
        pltpu.sync_copy(idx_hbm.at[pl.ds(base, per_w)], idx_v)

        def gather_desc(c, buf):
            return pltpu.make_async_copy(
                table_hbm.at[idx_v.at[pl.ds(c * _CHUNK, _CHUNK)]],
                rows_v.at[buf],
                gsems[buf],
            )

        def scatter_desc(c, buf):
            return pltpu.make_async_copy(
                rows_v.at[buf],
                out_hbm.at[pl.ds(base + c * _CHUNK, _CHUNK)],
                ssems[buf],
            )

        for buf in range(_NBUF):
            gather_desc(buf, buf).start()

        def body(j, carry):
            c0 = j * _NBUF
            for buf in range(_NBUF):
                gather_desc(c0 + buf, buf).wait()
                scatter_desc(c0 + buf, buf).start()
            for buf in range(_NBUF):
                @pl.when(j < ngrp - 1)
                def _(buf=buf):
                    scatter_desc(c0 + buf, buf).wait()
                    gather_desc(c0 + _NBUF + buf, buf).start()
            return carry

        lax.fori_loop(0, ngrp, body, 0)

        for buf in range(_NBUF):
            scatter_desc((ngrp - 1) * _NBUF + buf, buf).wait()

    out = gather_kernel(flat_idx, table)
    return out.reshape(b, l, dim)

# --- scband reference (transcript-rebuilt; emitter-appended) ---
"""Pipeline reference for scband-embedder-35235911697002 (READ-ONLY COPY).

The authoritative reference and input builder live on the scoring server;
editing this copy changes nothing except your own understanding.
"""

import jax, jax.numpy as jnp
import numpy as np

VOCAB = 1000000
DIM = 64
B = 16384
L = 50

def setup_inputs(seed: int = 0) -> dict:
    key = jax.random.key(seed)
    k1, k2 = jax.random.split(key)
    x = jax.random.randint(k1, (B, L), 0, VOCAB, dtype=jnp.int64 if jax.config.jax_enable_x64 else jnp.int32)
    table = jax.random.normal(k2, (VOCAB, DIM), dtype=jnp.float32)
    return {"x": x, "table": table}

def reference(x, table):
    # nn.Embedding forward: row gather from the embedding table
    embeddings = jnp.take(table, x, axis=0)
    return embeddings

if __name__ == "__main__":
    import jax
    _d = setup_inputs()
    print(jax.jit(kernel)(*tuple(_d.values())))

</pallas_src>

<mosaic_0001>
#map = affine_map<(d0, d1) -> (0)>
#map1 = affine_map<(d0, d1) -> (0, 0)>
module attributes {stable_mosaic.version = 14 : i64} {
  func.func @gather_kernel(%arg0: i32, %arg1: i32, %arg2: memref<819200xi32, #tpu.memory_space<hbm>>, %arg3: memref<1000000x64xf32, #tpu.memory_space<hbm>>, %arg4: memref<819200x64xf32, #tpu.memory_space<hbm>>, %arg5: memref<25600xi32, #tpu.memory_space<vmem>>, %arg6: memref<8x128x64xf32, #tpu.memory_space<vmem>>, %arg7: memref<!tpu.dma_semaphore, #tpu.memory_space<semaphore_mem>>, %arg8: memref<!tpu.dma_semaphore, #tpu.memory_space<semaphore_mem>>, %arg9: memref<!tpu.dma_semaphore, #tpu.memory_space<semaphore_mem>>, %arg10: memref<!tpu.dma_semaphore, #tpu.memory_space<semaphore_mem>>, %arg11: memref<!tpu.dma_semaphore, #tpu.memory_space<semaphore_mem>>, %arg12: memref<!tpu.dma_semaphore, #tpu.memory_space<semaphore_mem>>, %arg13: memref<!tpu.dma_semaphore, #tpu.memory_space<semaphore_mem>>, %arg14: memref<!tpu.dma_semaphore, #tpu.memory_space<semaphore_mem>>, %arg15: memref<!tpu.dma_semaphore, #tpu.memory_space<semaphore_mem>>, %arg16: memref<!tpu.dma_semaphore, #tpu.memory_space<semaphore_mem>>, %arg17: memref<!tpu.dma_semaphore, #tpu.memory_space<semaphore_mem>>, %arg18: memref<!tpu.dma_semaphore, #tpu.memory_space<semaphore_mem>>, %arg19: memref<!tpu.dma_semaphore, #tpu.memory_space<semaphore_mem>>, %arg20: memref<!tpu.dma_semaphore, #tpu.memory_space<semaphore_mem>>, %arg21: memref<!tpu.dma_semaphore, #tpu.memory_space<semaphore_mem>>, %arg22: memref<!tpu.dma_semaphore, #tpu.memory_space<semaphore_mem>>) attributes {dimension_semantics = [#tpu.dimension_semantics<core_parallel>, #tpu.dimension_semantics<subcore_parallel>], iteration_bounds = array<i64: 2, 16>, scalar_prefetch = 0 : i64, scratch_operands = 18 : i64, tpu.core_type = #tpu.core_type<sc_vector_subcore>, window_params = [{transform_indices = #map}, {transform_indices = #map1}, {transform_indices = #map1}]} {
    %mul3A = arith.constant 2 : i32
    %mul3A_0 = arith.muli %arg1, %mul3A : i32
    %add3A = arith.addi %mul3A_0, %arg0 : i32
    %mul3A_1 = arith.constant 25600 : i32
    %mul3A_2 = arith.muli %add3A, %mul3A_1 : i32
    "tpu.region"() ({
      %run_scoped3A = tpu.sem_alloc : memref<!tpu.dma_semaphore, #tpu.memory_space<semaphore_mem>>
      %dma_start3A_206 = tpu.memref_slice %arg2[%mul3A_2] : memref<819200xi32, #tpu.memory_space<hbm>> -> memref<25600xi32, #tpu.memory_space<hbm>>
      %dma_start3A_207 = tpu.memref_slice %arg2[%mul3A_2] : memref<819200xi32, #tpu.memory_space<hbm>> -> memref<25600xi32, #tpu.memory_space<hbm>>
      tpu.enqueue_dma source(%dma_start3A_207 : memref<25600xi32, #tpu.memory_space<hbm>>) target(%arg5 : memref<25600xi32, #tpu.memory_space<vmem>>) target_semaphore(%run_scoped3A : memref<!tpu.dma_semaphore, #tpu.memory_space<semaphore_mem>>)
      %dma_wait3A_208 = tpu.memref_slice %arg2[%mul3A_2] : memref<819200xi32, #tpu.memory_space<hbm>> -> memref<25600xi32, #tpu.memory_space<hbm>>
      %dma_wait3A_209 = tpu.memref_slice %arg2[%mul3A_2] : memref<819200xi32, #tpu.memory_space<hbm>> -> memref<25600xi32, #tpu.memory_space<hbm>>
      tpu.wait_dma2 semaphore(%run_scoped3A : memref<!tpu.dma_semaphore, #tpu.memory_space<semaphore_mem>>) src(%dma_wait3A_209 : memref<25600xi32, #tpu.memory_space<hbm>>) dst(%arg5 : memref<25600xi32, #tpu.memory_space<vmem>>)
      tpu.yield
    }) : () -> ()
    %dma_start3A = arith.constant 0 : i32
    %dma_start3A_3 = arith.constant 0 : i32
    %dma_start3A_4 = arith.constant 0 : i32
    %dma_start3A_5 = tpu.memref_slice %arg6[%dma_start3A, %dma_start3A_3, %dma_start3A_4] : memref<8x128x64xf32, #tpu.memory_space<vmem>> -> memref<1x128x64xf32, #tpu.memory_space<vmem>>
    %dma_start3A_6 = tpu.memref_squeeze %dma_start3A_5 : memref<1x128x64xf32, #tpu.memory_space<vmem>> -> memref<128x64xf32, #tpu.memory_space<vmem>>
    %dma_start3A_7 = arith.constant 0 : i32
    %dma_start3A_8 = tpu.memref_slice %arg5[%dma_start3A_7] : memref<25600xi32, #tpu.memory_space<vmem>> -> memref<128xi32, #tpu.memory_space<vmem>>
    %dma_start3A_9 = arith.constant 0 : i32
    %dma_start3A_10 = arith.constant 0 : i32
    %dma_start3A_11 = tpu.memref_slice %arg3[%dma_start3A_9, %dma_start3A_10] : memref<1000000x64xf32, #tpu.memory_space<hbm>> -> memref<1000000x64xf32, #tpu.memory_space<hbm>>
    tpu.enqueue_indirect_dma source(%dma_start3A_11 : memref<1000000x64xf32, #tpu.memory_space<hbm>>) target(%dma_start3A_6 : memref<128x64xf32, #tpu.memory_space<vmem>>) offsets(%dma_start3A_8 : memref<128xi32, #tpu.memory_space<vmem>>) semaphore(%arg7 : memref<!tpu.dma_semaphore, #tpu.memory_space<semaphore_mem>>)
    %dma_start3A_12 = arith.constant 1 : i32
    %dma_start3A_13 = arith.constant 0 : i32
    %dma_start3A_14 = arith.constant 0 : i32
    %dma_start3A_15 = tpu.memref_slice %arg6[%dma_start3A_12, %dma_start3A_13, %dma_start3A_14] : memref<8x128x64xf32, #tpu.memory_space<vmem>> -> memref<1x128x64xf32, #tpu.memory_space<vmem>>
    %dma_start3A_16 = tpu.memref_squeeze %dma_start3A_15 : memref<1x128x64xf32, #tpu.memory_space<vmem>> -> memref<128x64xf32, #tpu.memory_space<vmem>>
    %dma_start3A_17 = arith.constant 128 : i32
    %dma_start3A_18 = tpu.memref_slice %arg5[%dma_start3A_17] : memref<25600xi32, #tpu.memory_space<vmem>> -> memref<128xi32, #tpu.memory_space<vmem>>
    %dma_start3A_19 = arith.constant 0 : i32
    %dma_start3A_20 = arith.constant 0 : i32
    %dma_start3A_21 = tpu.memref_slice %arg3[%dma_start3A_19, %dma_start3A_20] : memref<1000000x64xf32, #tpu.memory_space<hbm>> -> memref<1000000x64xf32, #tpu.memory_space<hbm>>
    tpu.enqueue_indirect_dma source(%dma_start3A_21 : memref<1000000x64xf32, #tpu.memory_space<hbm>>) target(%dma_start3A_16 : memref<128x64xf32, #tpu.memory_space<vmem>>) offsets(%dma_start3A_18 : memref<128xi32, #tpu.memory_space<vmem>>) semaphore(%arg8 : memref<!tpu.dma_semaphore, #tpu.memory_space<semaphore_mem>>)
    %dma_start3A_22 = arith.constant 2 : i32
    %dma_start3A_23 = arith.constant 0 : i32
    %dma_start3A_24 = arith.constant 0 : i32
    %dma_start3A_25 = tpu.memref_slice %arg6[%dma_start3A_22, %dma_start3A_23, %dma_start3A_24] : memref<8x128x64xf32, #tpu.memory_space<vmem>> -> memref<1x128x64xf32, #tpu.memory_space<vmem>>
    %dma_start3A_26 = tpu.memref_squeeze %dma_start3A_25 : memref<1x128x64xf32, #tpu.memory_space<vmem>> -> memref<128x64xf32, #tpu.memory_space<vmem>>
    %dma_start3A_27 = arith.constant 256 : i32
    %dma_start3A_28 = tpu.memref_slice %arg5[%dma_start3A_27] : memref<25600xi32, #tpu.memory_space<vmem>> -> memref<128xi32, #tpu.memory_space<vmem>>
    %dma_start3A_29 = arith.constant 0 : i32
    %dma_start3A_30 = arith.constant 0 : i32
    %dma_start3A_31 = tpu.memref_slice %arg3[%dma_start3A_29, %dma_start3A_30] : memref<1000000x64xf32, #tpu.memory_space<hbm>> -> memref<1000000x64xf32, #tpu.memory_space<hbm>>
    tpu.enqueue_indirect_dma source(%dma_start3A_31 : memref<1000000x64xf32, #tpu.memory_space<hbm>>) target(%dma_start3A_26 : memref<128x64xf32, #tpu.memory_space<vmem>>) offsets(%dma_start3A_28 : memref<128xi32, #tpu.memory_space<vmem>>) semaphore(%arg9 : memref<!tpu.dma_semaphore, #tpu.memory_space<semaphore_mem>>)
    %dma_start3A_32 = arith.constant 3 : i32
    %dma_start3A_33 = arith.constant 0 : i32
    %dma_start3A_34 = arith.constant 0 : i32
    %dma_start3A_35 = tpu.memref_slice %arg6[%dma_start3A_32, %dma_start3A_33, %dma_start3A_34] : memref<8x128x64xf32, #tpu.memory_space<vmem>> -> memref<1x128x64xf32, #tpu.memory_space<vmem>>
    %dma_start3A_36 = tpu.memref_squeeze %dma_start3A_35 : memref<1x128x64xf32, #tpu.memory_space<vmem>> -> memref<128x64xf32, #tpu.memory_space<vmem>>
    %dma_start3A_37 = arith.constant 384 : i32
    %dma_start3A_38 = tpu.memref_slice %arg5[%dma_start3A_37] : memref<25600xi32, #tpu.memory_space<vmem>> -> memref<128xi32, #tpu.memory_space<vmem>>
    %dma_start3A_39 = arith.constant 0 : i32
    %dma_start3A_40 = arith.constant 0 : i32
    %dma_start3A_41 = tpu.memref_slice %arg3[%dma_start3A_39, %dma_start3A_40] : memref<1000000x64xf32, #tpu.memory_space<hbm>> -> memref<1000000x64xf32, #tpu.memory_space<hbm>>
    tpu.enqueue_indirect_dma source(%dma_start3A_41 : memref<1000000x64xf32, #tpu.memory_space<hbm>>) target(%dma_start3A_36 : memref<128x64xf32, #tpu.memory_space<vmem>>) offsets(%dma_start3A_38 : memref<128xi32, #tpu.memory_space<vmem>>) semaphore(%arg10 : memref<!tpu.dma_semaphore, #tpu.memory_space<semaphore_mem>>)
    %dma_start3A_42 = arith.constant 4 : i32
    %dma_start3A_43 = arith.constant 0 : i32
    %dma_start3A_44 = arith.constant 0 : i32
    %dma_start3A_45 = tpu.memref_slice %arg6[%dma_start3A_42, %dma_start3A_43, %dma_start3A_44] : memref<8x128x64xf32, #tpu.memory_space<vmem>> -> memref<1x128x64xf32, #tpu.memory_space<vmem>>
    %dma_start3A_46 = tpu.memref_squeeze %dma_start3A_45 : memref<1x128x64xf32, #tpu.memory_space<vmem>> -> memref<128x64xf32, #tpu.memory_space<vmem>>
    %dma_start3A_47 = arith.constant 512 : i32
    %dma_start3A_48 = tpu.memref_slice %arg5[%dma_start3A_47] : memref<25600xi32, #tpu.memory_space<vmem>> -> memref<128xi32, #tpu.memory_space<vmem>>
    %dma_start3A_49 = arith.constant 0 : i32
    %dma_start3A_50 = arith.constant 0 : i32
    %dma_start3A_51 = tpu.memref_slice %arg3[%dma_start3A_49, %dma_start3A_50] : memref<1000000x64xf32, #tpu.memory_space<hbm>> -> memref<1000000x64xf32, #tpu.memory_space<hbm>>
    tpu.enqueue_indirect_dma source(%dma_start3A_51 : memref<1000000x64xf32, #tpu.memory_space<hbm>>) target(%dma_start3A_46 : memref<128x64xf32, #tpu.memory_space<vmem>>) offsets(%dma_start3A_48 : memref<128xi32, #tpu.memory_space<vmem>>) semaphore(%arg11 : memref<!tpu.dma_semaphore, #tpu.memory_space<semaphore_mem>>)
    %dma_start3A_52 = arith.constant 5 : i32
    %dma_start3A_53 = arith.constant 0 : i32
    %dma_start3A_54 = arith.constant 0 : i32
    %dma_start3A_55 = tpu.memref_slice %arg6[%dma_start3A_52, %dma_start3A_53, %dma_start3A_54] : memref<8x128x64xf32, #tpu.memory_space<vmem>> -> memref<1x128x64xf32, #tpu.memory_space<vmem>>
    %dma_start3A_56 = tpu.memref_squeeze %dma_start3A_55 : memref<1x128x64xf32, #tpu.memory_space<vmem>> -> memref<128x64xf32, #tpu.memory_space<vmem>>
    %dma_start3A_57 = arith.constant 640 : i32
    %dma_start3A_58 = tpu.memref_slice %arg5[%dma_start3A_57] : memref<25600xi32, #tpu.memory_space<vmem>> -> memref<128xi32, #tpu.memory_space<vmem>>
    %dma_start3A_59 = arith.constant 0 : i32
    %dma_start3A_60 = arith.constant 0 : i32
    %dma_start3A_61 = tpu.memref_slice %arg3[%dma_start3A_59, %dma_start3A_60] : memref<1000000x64xf32, #tpu.memory_space<hbm>> -> memref<1000000x64xf32, #tpu.memory_space<hbm>>
    tpu.enqueue_indirect_dma source(%dma_start3A_61 : memref<1000000x64xf32, #tpu.memory_space<hbm>>) target(%dma_start3A_56 : memref<128x64xf32, #tpu.memory_space<vmem>>) offsets(%dma_start3A_58 : memref<128xi32, #tpu.memory_space<vmem>>) semaphore(%arg12 : memref<!tpu.dma_semaphore, #tpu.memory_space<semaphore_mem>>)
    %dma_start3A_62 = arith.constant 6 : i32
    %dma_start3A_63 = arith.constant 0 : i32
    %dma_start3A_64 = arith.constant 0 : i32
    %dma_start3A_65 = tpu.memref_slice %arg6[%dma_start3A_62, %dma_start3A_63, %dma_start3A_64] : memref<8x128x64xf32, #tpu.memory_space<vmem>> -> memref<1x128x64xf32, #tpu.memory_space<vmem>>
    %dma_start3A_66 = tpu.memref_squeeze %dma_start3A_65 : memref<1x128x64xf32, #tpu.memory_space<vmem>> -> memref<128x64xf32, #tpu.memory_space<vmem>>
    %dma_start3A_67 = arith.constant 768 : i32
    %dma_start3A_68 = tpu.memref_slice %arg5[%dma_start3A_67] : memref<25600xi32, #tpu.memory_space<vmem>> -> memref<128xi32, #tpu.memory_space<vmem>>
    %dma_start3A_69 = arith.constant 0 : i32
    %dma_start3A_70 = arith.constant 0 : i32
    %dma_start3A_71 = tpu.memref_slice %arg3[%dma_start3A_69, %dma_start3A_70] : memref<1000000x64xf32, #tpu.memory_space<hbm>> -> memref<1000000x64xf32, #tpu.memory_space<hbm>>
    tpu.enqueue_indirect_dma source(%dma_start3A_71 : memref<1000000x64xf32, #tpu.memory_space<hbm>>) target(%dma_start3A_66 : memref<128x64xf32, #tpu.memory_space<vmem>>) offsets(%dma_start3A_68 : memref<128xi32, #tpu.memory_space<vmem>>) semaphore(%arg13 : memref<!tpu.dma_semaphore, #tpu.memory_space<semaphore_mem>>)
    %dma_start3A_72 = arith.constant 7 : i32
    %dma_start3A_73 = arith.constant 0 : i32
    %dma_start3A_74 = arith.constant 0 : i32
    %dma_start3A_75 = tpu.memref_slice %arg6[%dma_start3A_72, %dma_start3A_73, %dma_start3A_74] : memref<8x128x64xf32, #tpu.memory_space<vmem>> -> memref<1x128x64xf32, #tpu.memory_space<vmem>>
    %dma_start3A_76 = tpu.memref_squeeze %dma_start3A_75 : memref<1x128x64xf32, #tpu.memory_space<vmem>> -> memref<128x64xf32, #tpu.memory_space<vmem>>
    %dma_start3A_77 = arith.constant 896 : i32
    %dma_start3A_78 = tpu.memref_slice %arg5[%dma_start3A_77] : memref<25600xi32, #tpu.memory_space<vmem>> -> memref<128xi32, #tpu.memory_space<vmem>>
    %dma_start3A_79 = arith.constant 0 : i32
    %dma_start3A_80 = arith.constant 0 : i32
    %dma_start3A_81 = tpu.memref_slice %arg3[%dma_start3A_79, %dma_start3A_80] : memref<1000000x64xf32, #tpu.memory_space<hbm>> -> memref<1000000x64xf32, #tpu.memory_space<hbm>>
    tpu.enqueue_indirect_dma source(%dma_start3A_81 : memref<1000000x64xf32, #tpu.memory_space<hbm>>) target(%dma_start3A_76 : memref<128x64xf32, #tpu.memory_space<vmem>>) offsets(%dma_start3A_78 : memref<128xi32, #tpu.memory_space<vmem>>) semaphore(%arg14 : memref<!tpu.dma_semaphore, #tpu.memory_space<semaphore_mem>>)
    %scan3A = arith.constant 0 : i32
    %scan3A_82 = arith.constant 0 : i32
    %scan3A_83 = arith.constant 25 : i32
    %scan3A_84 = arith.addi %scan3A_82, %scan3A_83 : i32
    %scan3A_85 = arith.constant 1 : i32
    scf.for %scan3A_206 = %scan3A_82 to %scan3A_84 step %scan3A_85  : i32 {
      %mul3A_207 = arith.constant 8 : i32
      %mul3A_208 = arith.muli %scan3A_206, %mul3A_207 : i32
      %add3A_209 = arith.constant 0 : i32
      %add3A_210 = arith.addi %mul3A_208, %add3A_209 : i32
      %mul3A_211 = arith.constant 128 : i32
      %mul3A_212 = arith.muli %add3A_210, %mul3A_211 : i32
      %dma_wait3A_213 = arith.constant 0 : i32
      %dma_wait3A_214 = arith.constant 0 : i32
      %dma_wait3A_215 = arith.constant 0 : i32
      %dma_wait3A_216 = tpu.memref_slice %arg6[%dma_wait3A_213, %dma_wait3A_214, %dma_wait3A_215] : memref<8x128x64xf32, #tpu.memory_space<vmem>> -> memref<1x128x64xf32, #tpu.memory_space<vmem>>
      %dma_wait3A_217 = tpu.memref_squeeze %dma_wait3A_216 : memref<1x128x64xf32, #tpu.memory_space<vmem>> -> memref<128x64xf32, #tpu.memory_space<vmem>>
      %dma_wait3A_218 = tpu.memref_slice %arg5[%mul3A_212] : memref<25600xi32, #tpu.memory_space<vmem>> -> memref<128xi32, #tpu.memory_space<vmem>>
      %dma_wait3A_219 = arith.constant 0 : i32
      %dma_wait3A_220 = arith.constant 0 : i32
      %dma_wait3A_221 = tpu.memref_slice %arg3[%dma_wait3A_219, %dma_wait3A_220] : memref<1000000x64xf32, #tpu.memory_space<hbm>> -> memref<1000000x64xf32, #tpu.memory_space<hbm>>
      tpu.wait_indirect_dma semaphore(%arg7 : memref<!tpu.dma_semaphore, #tpu.memory_space<semaphore_mem>>) src(%dma_wait3A_221 : memref<1000000x64xf32, #tpu.memory_space<hbm>>) dst(%dma_wait3A_217 : memref<128x64xf32, #tpu.memory_space<vmem>>)
      %add3A_222 = arith.constant 0 : i32
      %add3A_223 = arith.addi %mul3A_208, %add3A_222 : i32
      %mul3A_224 = arith.constant 128 : i32
      %mul3A_225 = arith.muli %add3A_223, %mul3A_224 : i32
      %add3A_226 = arith.addi %mul3A_2, %mul3A_225 : i32
      %dma_start3A_227 = arith.constant 0 : i32
      %dma_start3A_228 = arith.constant 0 : i32
      %dma_start3A_229 = arith.constant 0 : i32
      %dma_start3A_230 = tpu.memref_slice %arg6[%dma_start3A_227, %dma_start3A_228, %dma_start3A_229] : memref<8x128x64xf32, #tpu.memory_space<vmem>> -> memref<1x128x64xf32, #tpu.memory_space<vmem>>
      %dma_start3A_231 = tpu.memref_squeeze %dma_start3A_230 : memref<1x128x64xf32, #tpu.memory_space<vmem>> -> memref<128x64xf32, #tpu.memory_space<vmem>>
      %dma_start3A_232 = arith.constant 0 : i32
      %dma_start3A_233 = tpu.memref_slice %arg4[%add3A_226, %dma_start3A_232] : memref<819200x64xf32, #tpu.memory_space<hbm>> -> memref<128x64xf32, #tpu.memory_space<hbm>>
      %dma_start3A_234 = arith.constant 0 : i32
      %dma_start3A_235 = tpu.memref_slice %arg4[%add3A_226, %dma_start3A_234] : memref<819200x64xf32, #tpu.memory_space<hbm>> -> memref<128x64xf32, #tpu.memory_space<hbm>>
      %dma_start3A_236 = arith.constant 0 : i32
      %dma_start3A_237 = arith.constant 0 : i32
      %dma_start3A_238 = tpu.memref_slice %arg6[%dma_start3A_227, %dma_start3A_236, %dma_start3A_237] : memref<8x128x64xf32, #tpu.memory_space<vmem>> -> memref<1x128x64xf32, #tpu.memory_space<vmem>>
      %dma_start3A_239 = tpu.memref_squeeze %dma_start3A_238 : memref<1x128x64xf32, #tpu.memory_space<vmem>> -> memref<128x64xf32, #tpu.memory_space<vmem>>
      tpu.enqueue_dma source(%dma_start3A_239 : memref<128x64xf32, #tpu.memory_space<vmem>>) target(%dma_start3A_235 : memref<128x64xf32, #tpu.memory_space<hbm>>) target_semaphore(%arg15 : memref<!tpu.dma_semaphore, #tpu.memory_space<semaphore_mem>>)
      %add3A_240 = arith.constant 1 : i32
      %add3A_241 = arith.addi %mul3A_208, %add3A_240 : i32
      %mul3A_242 = arith.constant 128 : i32
      %mul3A_243 = arith.muli %add3A_241, %mul3A_242 : i32
      %dma_wait3A_244 = arith.constant 1 : i32
      %dma_wait3A_245 = arith.constant 0 : i32
      %dma_wait3A_246 = arith.constant 0 : i32
      %dma_wait3A_247 = tpu.memref_slice %arg6[%dma_wait3A_244, %dma_wait3A_245, %dma_wait3A_246] : memref<8x128x64xf32, #tpu.memory_space<vmem>> -> memref<1x128x64xf32, #tpu.memory_space<vmem>>
      %dma_wait3A_248 = tpu.memref_squeeze %dma_wait3A_247 : memref<1x128x64xf32, #tpu.memory_space<vmem>> -> memref<128x64xf32, #tpu.memory_space<vmem>>
      %dma_wait3A_249 = tpu.memref_slice %arg5[%mul3A_243] : memref<25600xi32, #tpu.memory_space<vmem>> -> memref<128xi32, #tpu.memory_space<vmem>>
      %dma_wait3A_250 = arith.constant 0 : i32
      %dma_wait3A_251 = arith.constant 0 : i32
      %dma_wait3A_252 = tpu.memref_slice %arg3[%dma_wait3A_250, %dma_wait3A_251] : memref<1000000x64xf32, #tpu.memory_space<hbm>> -> memref<1000000x64xf32, #tpu.memory_space<hbm>>
      tpu.wait_indirect_dma semaphore(%arg8 : memref<!tpu.dma_semaphore, #tpu.memory_space<semaphore_mem>>) src(%dma_wait3A_252 : memref<1000000x64xf32, #tpu.memory_space<hbm>>) dst(%dma_wait3A_248 : memref<128x64xf32, #tpu.memory_space<vmem>>)
      %add3A_253 = arith.constant 1 : i32
      %add3A_254 = arith.addi %mul3A_208, %add3A_253 : i32
      %mul3A_255 = arith.constant 128 : i32
      %mul3A_256 = arith.muli %add3A_254, %mul3A_255 : i32
      %add3A_257 = arith.addi %mul3A_2, %mul3A_256 : i32
      %dma_start3A_258 = arith.constant 1 : i32
      %dma_start3A_259 = arith.constant 0 : i32
      %dma_start3A_260 = arith.constant 0 : i32
      %dma_start3A_261 = tpu.memref_slice %arg6[%dma_start3A_258, %dma_start3A_259, %dma_start3A_260] : memref<8x128x64xf32, #tpu.memory_space<vmem>> -> memref<1x128x64xf32, #tpu.memory_space<vmem>>
      %dma_start3A_262 = tpu.memref_squeeze %dma_start3A_261 : memref<1x128x64xf32, #tpu.memory_space<vmem>> -> memref<128x64xf32, #tpu.memory_space<vmem>>
      %dma_start3A_263 = arith.constant 0 : i32
      %dma_start3A_264 = tpu.memref_slice %arg4[%add3A_257, %dma_start3A_263] : memref<819200x64xf32, #tpu.memory_space<hbm>> -> memref<128x64xf32, #tpu.memory_space<hbm>>
      %dma_start3A_265 = arith.constant 0 : i32
      %dma_start3A_266 = tpu.memref_slice %arg4[%add3A_257, %dma_start3A_265] : memref<819200x64xf32, #tpu.memory_space<hbm>> -> memref<128x64xf32, #tpu.memory_space<hbm>>
      %dma_start3A_267 = arith.constant 0 : i32
      %dma_start3A_268 = arith.constant 0 : i32
      %dma_start3A_269 = tpu.memref_slice %arg6[%dma_start3A_258, %dma_start3A_267, %dma_start3A_268] : memref<8x128x64xf32, #tpu.memory_space<vmem>> -> memref<1x128x64xf32, #tpu.memory_space<vmem>>
      %dma_start3A_270 = tpu.memref_squeeze %dma_start3A_269 : memref<1x128x64xf32, #tpu.memory_space<vmem>> -> memref<128x64xf32, #tpu.memory_space<vmem>>
      tpu.enqueue_dma source(%dma_start3A_270 : memref<128x64xf32, #tpu.memory_space<vmem>>) target(%dma_start3A_266 : memref<128x64xf32, #tpu.memory_space<hbm>>) target_semaphore(%arg16 : memref<!tpu.dma_semaphore, #tpu.memory_space<semaphore_mem>>)
      %add3A_271 = arith.constant 2 : i32
      %add3A_272 = arith.addi %mul3A_208, %add3A_271 : i32
      %mul3A_273 = arith.constant 128 : i32
      %mul3A_274 = arith.muli %add3A_272, %mul3A_273 : i32
      %dma_wait3A_275 = arith.constant 2 : i32
      %dma_wait3A_276 = arith.constant 0 : i32
      %dma_wait3A_277 = arith.constant 0 : i32
      %dma_wait3A_278 = tpu.memref_slice %arg6[%dma_wait3A_275, %dma_wait3A_276, %dma_wait3A_277] : memref<8x128x64xf32, #tpu.memory_space<vmem>> -> memref<1x128x64xf32, #tpu.memory_space<vmem>>
      %dma_wait3A_279 = tpu.memref_squeeze %dma_wait3A_278 : memref<1x128x64xf32, #tpu.memory_space<vmem>> -> memref<128x64xf32, #tpu.memory_space<vmem>>
      %dma_wait3A_280 = tpu.memref_slice %arg5[%mul3A_274] : memref<25600xi32, #tpu.memory_space<vmem>> -> memref<128xi32, #tpu.memory_space<vmem>>
      %dma_wait3A_281 = arith.constant 0 : i32
      %dma_wait3A_282 = arith.constant 0 : i32
      %dma_wait3A_283 = tpu.memref_slice %arg3[%dma_wait3A_281, %dma_wait3A_282] : memref<1000000x64xf32, #tpu.memory_space<hbm>> -> memref<1000000x64xf32, #tpu.memory_space<hbm>>
      tpu.wait_indirect_dma semaphore(%arg9 : memref<!tpu.dma_semaphore, #tpu.memory_space<semaphore_mem>>) src(%dma_wait3A_283 : memref<1000000x64xf32, #tpu.memory_space<hbm>>) dst(%dma_wait3A_279 : memref<128x64xf32, #tpu.memory_space<vmem>>)
      %add3A_284 = arith.constant 2 : i32
      %add3A_285 = arith.addi %mul3A_208, %add3A_284 : i32
      %mul3A_286 = arith.constant 128 : i32
      %mul3A_287 = arith.muli %add3A_285, %mul3A_286 : i32
      %add3A_288 = arith.addi %mul3A_2, %mul3A_287 : i32
      %dma_start3A_289 = arith.constant 2 : i32
      %dma_start3A_290 = arith.constant 0 : i32
      %dma_start3A_291 = arith.constant 0 : i32
      %dma_start3A_292 = tpu.memref_slice %arg6[%dma_start3A_289, %dma_start3A_290, %dma_start3A_291] : memref<8x128x64xf32, #tpu.memory_space<vmem>> -> memref<1x128x64xf32, #tpu.memory_space<vmem>>
      %dma_start3A_293 = tpu.memref_squeeze %dma_start3A_292 : memref<1x128x64xf32, #tpu.memory_space<vmem>> -> memref<128x64xf32, #tpu.memory_space<vmem>>
      %dma_start3A_294 = arith.constant 0 : i32
      %dma_start3A_295 = tpu.memref_slice %arg4[%add3A_288, %dma_start3A_294] : memref<819200x64xf32, #tpu.memory_space<hbm>> -> memref<128x64xf32, #tpu.memory_space<hbm>>
      %dma_start3A_296 = arith.constant 0 : i32
      %dma_start3A_297 = tpu.memref_slice %arg4[%add3A_288, %dma_start3A_296] : memref<819200x64xf32, #tpu.memory_space<hbm>> -> memref<128x64xf32, #tpu.memory_space<hbm>>
      %dma_start3A_298 = arith.constant 0 : i32
      %dma_start3A_299 = arith.constant 0 : i32
      %dma_start3A_300 = tpu.memref_slice %arg6[%dma_start3A_289, %dma_start3A_298, %dma_start3A_299] : memref<8x128x64xf32, #tpu.memory_space<vmem>> -> memref<1x128x64xf32, #tpu.memory_space<vmem>>
      %dma_start3A_301 = tpu.memref_squeeze %dma_start3A_300 : memref<1x128x64xf32, #tpu.memory_space<vmem>> -> memref<128x64xf32, #tpu.memory_space<vmem>>
      tpu.enqueue_dma source(%dma_start3A_301 : memref<128x64xf32, #tpu.memory_space<vmem>>) target(%dma_start3A_297 : memref<128x64xf32, #tpu.memory_space<hbm>>) target_semaphore(%arg17 : memref<!tpu.dma_semaphore, #tpu.memory_space<semaphore_mem>>)
      %add3A_302 = arith.constant 3 : i32
      %add3A_303 = arith.addi %mul3A_208, %add3A_302 : i32
      %mul3A_304 = arith.constant 128 : i32
      %mul3A_305 = arith.muli %add3A_303, %mul3A_304 : i32
      %dma_wait3A_306 = arith.constant 3 : i32
      %dma_wait3A_307 = arith.constant 0 : i32
      %dma_wait3A_308 = arith.constant 0 : i32
      %dma_wait3A_309 = tpu.memref_slice %arg6[%dma_wait3A_306, %dma_wait3A_307, %dma_wait3A_308] : memref<8x128x64xf32, #tpu.memory_space<vmem>> -> memref<1x128x64xf32, #tpu.memory_space<vmem>>
      %dma_wait3A_310 = tpu.memref_squeeze %dma_wait3A_309 : memref<1x128x64xf32, #tpu.memory_space<vmem>> -> memref<128x64xf32, #tpu.memory_space<vmem>>
      %dma_wait3A_311 = tpu.memref_slice %arg5[%mul3A_305] : memref<25600xi32, #tpu.memory_space<vmem>> -> memref<128xi32, #tpu.memory_space<vmem>>
      %dma_wait3A_312 = arith.constant 0 : i32
      %dma_wait3A_313 = arith.constant 0 : i32
      %dma_wait3A_314 = tpu.memref_slice %arg3[%dma_wait3A_312, %dma_wait3A_313] : memref<1000000x64xf32, #tpu.memory_space<hbm>> -> memref<1000000x64xf32, #tpu.memory_space<hbm>>
      tpu.wait_indirect_dma semaphore(%arg10 : memref<!tpu.dma_semaphore, #tpu.memory_space<semaphore_mem>>) src(%dma_wait3A_314 : memref<1000000x64xf32, #tpu.memory_space<hbm>>) dst(%dma_wait3A_310 : memref<128x64xf32, #tpu.memory_space<vmem>>)
      %add3A_315 = arith.constant 3 : i32
      %add3A_316 = arith.addi %mul3A_208, %add3A_315 : i32
      %mul3A_317 = arith.constant 128 : i32
      %mul3A_318 = arith.muli %add3A_316, %mul3A_317 : i32
      %add3A_319 = arith.addi %mul3A_2, %mul3A_318 : i32
      %dma_start3A_320 = arith.constant 3 : i32
      %dma_start3A_321 = arith.constant 0 : i32
      %dma_start3A_322 = arith.constant 0 : i32
      %dma_start3A_323 = tpu.memref_slice %arg6[%dma_start3A_320, %dma_start3A_321, %dma_start3A_322] : memref<8x128x64xf32, #tpu.memory_space<vmem>> -> memref<1x128x64xf32, #tpu.memory_space<vmem>>
      %dma_start3A_324 = tpu.memref_squeeze %dma_start3A_323 : memref<1x128x64xf32, #tpu.memory_space<vmem>> -> memref<128x64xf32, #tpu.memory_space<vmem>>
      %dma_start3A_325 = arith.constant 0 : i32
      %dma_start3A_326 = tpu.memref_slice %arg4[%add3A_319, %dma_start3A_325] : memref<819200x64xf32, #tpu.memory_space<hbm>> -> memref<128x64xf32, #tpu.memory_space<hbm>>
      %dma_start3A_327 = arith.constant 0 : i32
      %dma_start3A_328 = tpu.memref_slice %arg4[%add3A_319, %dma_start3A_327] : memref<819200x64xf32, #tpu.memory_space<hbm>> -> memref<128x64xf32, #tpu.memory_space<hbm>>
      %dma_start3A_329 = arith.constant 0 : i32
      %dma_start3A_330 = arith.constant 0 : i32
      %dma_start3A_331 = tpu.memref_slice %arg6[%dma_start3A_320, %dma_start3A_329, %dma_start3A_330] : memref<8x128x64xf32, #tpu.memory_space<vmem>> -> memref<1x128x64xf32, #tpu.memory_space<vmem>>
      %dma_start3A_332 = tpu.memref_squeeze %dma_start3A_331 : memref<1x128x64xf32, #tpu.memory_space<vmem>> -> memref<128x64xf32, #tpu.memory_space<vmem>>
      tpu.enqueue_dma source(%dma_start3A_332 : memref<128x64xf32, #tpu.memory_space<vmem>>) target(%dma_start3A_328 : memref<128x64xf32, #tpu.memory_space<hbm>>) target_semaphore(%arg18 : memref<!tpu.dma_semaphore, #tpu.memory_space<semaphore_mem>>)
      %add3A_333 = arith.constant 4 : i32
      %add3A_334 = arith.addi %mul3A_208, %add3A_333 : i32
      %mul3A_335 = arith.constant 128 : i32
      %mul3A_336 = arith.muli %add3A_334, %mul3A_335 : i32
      %dma_wait3A_337 = arith.constant 4 : i32
      %dma_wait3A_338 = arith.constant 0 : i32
      %dma_wait3A_339 = arith.constant 0 : i32
      %dma_wait3A_340 = tpu.memref_slice %arg6[%dma_wait3A_337, %dma_wait3A_338, %dma_wait3A_339] : memref<8x128x64xf32, #tpu.memory_space<vmem>> -> memref<1x128x64xf32, #tpu.memory_space<vmem>>
      %dma_wait3A_341 = tpu.memref_squeeze %dma_wait3A_340 : memref<1x128x64xf32, #tpu.memory_space<vmem>> -> memref<128x64xf32, #tpu.memory_space<vmem>>
      %dma_wait3A_342 = tpu.memref_slice %arg5[%mul3A_336] : memref<25600xi32, #tpu.memory_space<vmem>> -> memref<128xi32, #tpu.memory_space<vmem>>
      %dma_wait3A_343 = arith.constant 0 : i32
      %dma_wait3A_344 = arith.constant 0 : i32
      %dma_wait3A_345 = tpu.memref_slice %arg3[%dma_wait3A_343, %dma_wait3A_344] : memref<1000000x64xf32, #tpu.memory_space<hbm>> -> memref<1000000x64xf32, #tpu.memory_space<hbm>>
      tpu.wait_indirect_dma semaphore(%arg11 : memref<!tpu.dma_semaphore, #tpu.memory_space<semaphore_mem>>) src(%dma_wait3A_345 : memref<1000000x64xf32, #tpu.memory_space<hbm>>) dst(%dma_wait3A_341 : memref<128x64xf32, #tpu.memory_space<vmem>>)
      %add3A_346 = arith.constant 4 : i32
      %add3A_347 = arith.addi %mul3A_208, %add3A_346 : i32
      %mul3A_348 = arith.constant 128 : i32
      %mul3A_349 = arith.muli %add3A_347, %mul3A_348 : i32
      %add3A_350 = arith.addi %mul3A_2, %mul3A_349 : i32
      %dma_start3A_351 = arith.constant 4 : i32
      %dma_start3A_352 = arith.constant 0 : i32
      %dma_start3A_353 = arith.constant 0 : i32
      %dma_start3A_354 = tpu.memref_slice %arg6[%dma_start3A_351, %dma_start3A_352, %dma_start3A_353] : memref<8x128x64xf32, #tpu.memory_space<vmem>> -> memref<1x128x64xf32, #tpu.memory_space<vmem>>
      %dma_start3A_355 = tpu.memref_squeeze %dma_start3A_354 : memref<1x128x64xf32, #tpu.memory_space<vmem>> -> memref<128x64xf32, #tpu.memory_space<vmem>>
      %dma_start3A_356 = arith.constant 0 : i32
      %dma_start3A_357 = tpu.memref_slice %arg4[%add3A_350, %dma_start3A_356] : memref<819200x64xf32, #tpu.memory_space<hbm>> -> memref<128x64xf32, #tpu.memory_space<hbm>>
      %dma_start3A_358 = arith.constant 0 : i32
      %dma_start3A_359 = tpu.memref_slice %arg4[%add3A_350, %dma_start3A_358] : memref<819200x64xf32, #tpu.memory_space<hbm>> -> memref<128x64xf32, #tpu.memory_space<hbm>>
      %dma_start3A_360 = arith.constant 0 : i32
      %dma_start3A_361 = arith.constant 0 : i32
      %dma_start3A_362 = tpu.memref_slice %arg6[%dma_start3A_351, %dma_start3A_360, %dma_start3A_361] : memref<8x128x64xf32, #tpu.memory_space<vmem>> -> memref<1x128x64xf32, #tpu.memory_space<vmem>>
      %dma_start3A_363 = tpu.memref_squeeze %dma_start3A_362 : memref<1x128x64xf32, #tpu.memory_space<vmem>> -> memref<128x64xf32, #tpu.memory_space<vmem>>
      tpu.enqueue_dma source(%dma_start3A_363 : memref<128x64xf32, #tpu.memory_space<vmem>>) target(%dma_start3A_359 : memref<128x64xf32, #tpu.memory_space<hbm>>) target_semaphore(%arg19 : memref<!tpu.dma_semaphore, #tpu.memory_space<semaphore_mem>>)
      %add3A_364 = arith.constant 5 : i32
      %add3A_365 = arith.addi %mul3A_208, %add3A_364 : i32
      %mul3A_366 = arith.constant 128 : i32
      %mul3A_367 = arith.muli %add3A_365, %mul3A_366 : i32
      %dma_wait3A_368 = arith.constant 5 : i32
      %dma_wait3A_369 = arith.constant 0 : i32
      %dma_wait3A_370 = arith.constant 0 : i32
      %dma_wait3A_371 = tpu.memref_slice %arg6[%dma_wait3A_368, %dma_wait3A_369, %dma_wait3A_370] : memref<8x128x64xf32, #tpu.memory_space<vmem>> -> memref<1x128x64xf32, #tpu.memory_space<vmem>>
      %dma_wait3A_372 = tpu.memref_squeeze %dma_wait3A_371 : memref<1x128x64xf32, #tpu.memory_space<vmem>> -> memref<128x64xf32, #tpu.memory_space<vmem>>
      %dma_wait3A_373 = tpu.memref_slice %arg5[%mul3A_367] : memref<25600xi32, #tpu.memory_space<vmem>> -> memref<128xi32, #tpu.memory_space<vmem>>
      %dma_wait3A_374 = arith.constant 0 : i32
      %dma_wait3A_375 = arith.constant 0 : i32
      %dma_wait3A_376 = tpu.memref_slice %arg3[%dma_wait3A_374, %dma_wait3A_375] : memref<1000000x64xf32, #tpu.memory_space<hbm>> -> memref<1000000x64xf32, #tpu.memory_space<hbm>>
      tpu.wait_indirect_dma semaphore(%arg12 : memref<!tpu.dma_semaphore, #tpu.memory_space<semaphore_mem>>) src(%dma_wait3A_376 : memref<1000000x64xf32, #tpu.memory_space<hbm>>) dst(%dma_wait3A_372 : memref<128x64xf32, #tpu.memory_space<vmem>>)
      %add3A_377 = arith.constant 5 : i32
      %add3A_378 = arith.addi %mul3A_208, %add3A_377 : i32
      %mul3A_379 = arith.constant 128 : i32
      %mul3A_380 = arith.muli %add3A_378, %mul3A_379 : i32
      %add3A_381 = arith.addi %mul3A_2, %mul3A_380 : i32
      %dma_start3A_382 = arith.constant 5 : i32
      %dma_start3A_383 = arith.constant 0 : i32
      %dma_start3A_384 = arith.constant 0 : i32
      %dma_start3A_385 = tpu.memref_slice %arg6[%dma_start3A_382, %dma_start3A_383, %dma_start3A_384] : memref<8x128x64xf32, #tpu.memory_space<vmem>> -> memref<1x128x64xf32, #tpu.memory_space<vmem>>
      %dma_start3A_386 = tpu.memref_squeeze %dma_start3A_385 : memref<1x128x64xf32, #tpu.memory_space<vmem>> -> memref<128x64xf32, #tpu.memory_space<vmem>>
      %dma_start3A_387 = arith.constant 0 : i32
      %dma_start3A_388 = tpu.memref_slice %arg4[%add3A_381, %dma_start3A_387] : memref<819200x64xf32, #tpu.memory_space<hbm>> -> memref<128x64xf32, #tpu.memory_space<hbm>>
      %dma_start3A_389 = arith.constant 0 : i32
      %dma_start3A_390 = tpu.memref_slice %arg4[%add3A_381, %dma_start3A_389] : memref<819200x64xf32, #tpu.memory_space<hbm>> -> memref<128x64xf32, #tpu.memory_space<hbm>>
      %dma_start3A_391 = arith.constant 0 : i32
      %dma_start3A_392 = arith.constant 0 : i32
      %dma_start3A_393 = tpu.memref_slice %arg6[%dma_start3A_382, %dma_start3A_391, %dma_start3A_392] : memref<8x128x64xf32, #tpu.memory_space<vmem>> -> memref<1x128x64xf32, #tpu.memory_space<vmem>>
      %dma_start3A_394 = tpu.memref_squeeze %dma_start3A_393 : memref<1x128x64xf32, #tpu.memory_space<vmem>> -> memref<128x64xf32, #tpu.memory_space<vmem>>
      tpu.enqueue_dma source(%dma_start3A_394 : memref<128x64xf32, #tpu.memory_space<vmem>>) target(%dma_start3A_390 : memref<128x64xf32, #tpu.memory_space<hbm>>) target_semaphore(%arg20 : memref<!tpu.dma_semaphore, #tpu.memory_space<semaphore_mem>>)
      %add3A_395 = arith.constant 6 : i32
      %add3A_396 = arith.addi %mul3A_208, %add3A_395 : i32
      %mul3A_397 = arith.constant 128 : i32
      %mul3A_398 = arith.muli %add3A_396, %mul3A_397 : i32
      %dma_wait3A_399 = arith.constant 6 : i32
      %dma_wait3A_400 = arith.constant 0 : i32
      %dma_wait3A_401 = arith.constant 0 : i32
      %dma_wait3A_402 = tpu.memref_slice %arg6[%dma_wait3A_399, %dma_wait3A_400, %dma_wait3A_401] : memref<8x128x64xf32, #tpu.memory_space<vmem>> -> memref<1x128x64xf32, #tpu.memory_space<vmem>>
      %dma_wait3A_403 = tpu.memref_squeeze %dma_wait3A_402 : memref<1x128x64xf32, #tpu.memory_space<vmem>> -> memref<128x64xf32, #tpu.memory_space<vmem>>
      %dma_wait3A_404 = tpu.memref_slice %arg5[%mul3A_398] : memref<25600xi32, #tpu.memory_space<vmem>> -> memref<128xi32, #tpu.memory_space<vmem>>
      %dma_wait3A_405 = arith.constant 0 : i32
      %dma_wait3A_406 = arith.constant 0 : i32
      %dma_wait3A_407 = tpu.memref_slice %arg3[%dma_wait3A_405, %dma_wait3A_406] : memref<1000000x64xf32, #tpu.memory_space<hbm>> -> memref<1000000x64xf32, #tpu.memory_space<hbm>>
      tpu.wait_indirect_dma semaphore(%arg13 : memref<!tpu.dma_semaphore, #tpu.memory_space<semaphore_mem>>) src(%dma_wait3A_407 : memref<1000000x64xf32, #tpu.memory_space<hbm>>) dst(%dma_wait3A_403 : memref<128x64xf32, #tpu.memory_space<vmem>>)
      %add3A_408 = arith.constant 6 : i32
      %add3A_409 = arith.addi %mul3A_208, %add3A_408 : i32
      %mul3A_410 = arith.constant 128 : i32
      %mul3A_411 = arith.muli %add3A_409, %mul3A_410 : i32
      %add3A_412 = arith.addi %mul3A_2, %mul3A_411 : i32
      %dma_start3A_413 = arith.constant 6 : i32
      %dma_start3A_414 = arith.constant 0 : i32
      %dma_start3A_415 = arith.constant 0 : i32
      %dma_start3A_416 = tpu.memref_slice %arg6[%dma_start3A_413, %dma_start3A_414, %dma_start3A_415] : memref<8x128x64xf32, #tpu.memory_space<vmem>> -> memref<1x128x64xf32, #tpu.memory_space<vmem>>
      %dma_start3A_417 = tpu.memref_squeeze %dma_start3A_416 : memref<1x128x64xf32, #tpu.memory_space<vmem>> -> memref<128x64xf32, #tpu.memory_space<vmem>>
      %dma_start3A_418 = arith.constant 0 : i32
      %dma_start3A_419 = tpu.memref_slice %arg4[%add3A_412, %dma_start3A_418] : memref<819200x64xf32, #tpu.memory_space<hbm>> -> memref<128x64xf32, #tpu.memory_space<hbm>>
      %dma_start3A_420 = arith.constant 0 : i32
      %dma_start3A_421 = tpu.memref_slice %arg4[%add3A_412, %dma_start3A_420] : memref<819200x64xf32, #tpu.memory_space<hbm>> -> memref<128x64xf32, #tpu.memory_space<hbm>>
      %dma_start3A_422 = arith.constant 0 : i32
      %dma_start3A_423 = arith.constant 0 : i32
      %dma_start3A_424 = tpu.memref_slice %arg6[%dma_start3A_413, %dma_start3A_422, %dma_start3A_423] : memref<8x128x64xf32, #tpu.memory_space<vmem>> -> memref<1x128x64xf32, #tpu.memory_space<vmem>>
      %dma_start3A_425 = tpu.memref_squeeze %dma_start3A_424 : memref<1x128x64xf32, #tpu.memory_space<vmem>> -> memref<128x64xf32, #tpu.memory_space<vmem>>
      tpu.enqueue_dma source(%dma_start3A_425 : memref<128x64xf32, #tpu.memory_space<vmem>>) target(%dma_start3A_421 : memref<128x64xf32, #tpu.memory_space<hbm>>) target_semaphore(%arg21 : memref<!tpu.dma_semaphore, #tpu.memory_space<semaphore_mem>>)
      %add3A_426 = arith.constant 7 : i32
      %add3A_427 = arith.addi %mul3A_208, %add3A_426 : i32
      %mul3A_428 = arith.constant 128 : i32
      %mul3A_429 = arith.muli %add3A_427, %mul3A_428 : i32
      %dma_wait3A_430 = arith.constant 7 : i32
      %dma_wait3A_431 = arith.constant 0 : i32
      %dma_wait3A_432 = arith.constant 0 : i32
      %dma_wait3A_433 = tpu.memref_slice %arg6[%dma_wait3A_430, %dma_wait3A_431, %dma_wait3A_432] : memref<8x128x64xf32, #tpu.memory_space<vmem>> -> memref<1x128x64xf32, #tpu.memory_space<vmem>>
      %dma_wait3A_434 = tpu.memref_squeeze %dma_wait3A_433 : memref<1x128x64xf32, #tpu.memory_space<vmem>> -> memref<128x64xf32, #tpu.memory_space<vmem>>
      %dma_wait3A_435 = tpu.memref_slice %arg5[%mul3A_429] : memref<25600xi32, #tpu.memory_space<vmem>> -> memref<128xi32, #tpu.memory_space<vmem>>
      %dma_wait3A_436 = arith.constant 0 : i32
      %dma_wait3A_437 = arith.constant 0 : i32
      %dma_wait3A_438 = tpu.memref_slice %arg3[%dma_wait3A_436, %dma_wait3A_437] : memref<1000000x64xf32, #tpu.memory_space<hbm>> -> memref<1000000x64xf32, #tpu.memory_space<hbm>>
      tpu.wait_indirect_dma semaphore(%arg14 : memref<!tpu.dma_semaphore, #tpu.memory_space<semaphore_mem>>) src(%dma_wait3A_438 : memref<1000000x64xf32, #tpu.memory_space<hbm>>) dst(%dma_wait3A_434 : memref<128x64xf32, #tpu.memory_space<vmem>>)
      %add3A_439 = arith.constant 7 : i32
      %add3A_440 = arith.addi %mul3A_208, %add3A_439 : i32
      %mul3A_441 = arith.constant 128 : i32
      %mul3A_442 = arith.muli %add3A_440, %mul3A_441 : i32
      %add3A_443 = arith.addi %mul3A_2, %mul3A_442 : i32
      %dma_start3A_444 = arith.constant 7 : i32
      %dma_start3A_445 = arith.constant 0 : i32
      %dma_start3A_446 = arith.constant 0 : i32
      %dma_start3A_447 = tpu.memref_slice %arg6[%dma_start3A_444, %dma_start3A_445, %dma_start3A_446] : memref<8x128x64xf32, #tpu.memory_space<vmem>> -> memref<1x128x64xf32, #tpu.memory_space<vmem>>
      %dma_start3A_448 = tpu.memref_squeeze %dma_start3A_447 : memref<1x128x64xf32, #tpu.memory_space<vmem>> -> memref<128x64xf32, #tpu.memory_space<vmem>>
      %dma_start3A_449 = arith.constant 0 : i32
      %dma_start3A_450 = tpu.memref_slice %arg4[%add3A_443, %dma_start3A_449] : memref<819200x64xf32, #tpu.memory_space<hbm>> -> memref<128x64xf32, #tpu.memory_space<hbm>>
      %dma_start3A_451 = arith.constant 0 : i32
      %dma_start3A_452 = tpu.memref_slice %arg4[%add3A_443, %dma_start3A_451] : memref<819200x64xf32, #tpu.memory_space<hbm>> -> memref<128x64xf32, #tpu.memory_space<hbm>>
      %dma_start3A_453 = arith.constant 0 : i32
      %dma_start3A_454 = arith.constant 0 : i32
      %dma_start3A_455 = tpu.memref_slice %arg6[%dma_start3A_444, %dma_start3A_453, %dma_start3A_454] : memref<8x128x64xf32, #tpu.memory_space<vmem>> -> memref<1x128x64xf32, #tpu.memory_space<vmem>>
      %dma_start3A_456 = tpu.memref_squeeze %dma_start3A_455 : memref<1x128x64xf32, #tpu.memory_space<vmem>> -> memref<128x64xf32, #tpu.memory_space<vmem>>
      tpu.enqueue_dma source(%dma_start3A_456 : memref<128x64xf32, #tpu.memory_space<vmem>>) target(%dma_start3A_452 : memref<128x64xf32, #tpu.memory_space<hbm>>) target_semaphore(%arg22 : memref<!tpu.dma_semaphore, #tpu.memory_space<semaphore_mem>>)
      %lt3A = arith.constant 24 : i32
      %lt3A_457 = arith.cmpi slt, %scan3A_206, %lt3A : i32
      %convert_element_type3A = arith.extui %lt3A_457 : i1 to i32
      %cond3A = arith.constant 0 : i32
      %cond3A_458 = arith.cmpi ne, %convert_element_type3A, %cond3A : i32
      scf.if %cond3A_458 {
        %add3A_494 = arith.constant 0 : i32
        %add3A_495 = arith.addi %mul3A_208, %add3A_494 : i32
        %mul3A_496 = arith.constant 128 : i32
        %mul3A_497 = arith.muli %add3A_495, %mul3A_496 : i32
        %add3A_498 = arith.addi %mul3A_2, %mul3A_497 : i32
        %dma_wait3A_499 = arith.constant 0 : i32
        %dma_wait3A_500 = arith.constant 0 : i32
        %dma_wait3A_501 = arith.constant 0 : i32
        %dma_wait3A_502 = tpu.memref_slice %arg6[%dma_wait3A_499, %dma_wait3A_500, %dma_wait3A_501] : memref<8x128x64xf32, #tpu.memory_space<vmem>> -> memref<1x128x64xf32, #tpu.memory_space<vmem>>
        %dma_wait3A_503 = tpu.memref_squeeze %dma_wait3A_502 : memref<1x128x64xf32, #tpu.memory_space<vmem>> -> memref<128x64xf32, #tpu.memory_space<vmem>>
        %dma_wait3A_504 = arith.constant 0 : i32
        %dma_wait3A_505 = tpu.memref_slice %arg4[%add3A_498, %dma_wait3A_504] : memref<819200x64xf32, #tpu.memory_space<hbm>> -> memref<128x64xf32, #tpu.memory_space<hbm>>
        %dma_wait3A_506 = arith.constant 0 : i32
        %dma_wait3A_507 = tpu.memref_slice %arg4[%add3A_498, %dma_wait3A_506] : memref<819200x64xf32, #tpu.memory_space<hbm>> -> memref<128x64xf32, #tpu.memory_space<hbm>>
        %dma_wait3A_508 = arith.constant 0 : i32
        %dma_wait3A_509 = arith.constant 0 : i32
        %dma_wait3A_510 = tpu.memref_slice %arg6[%dma_wait3A_499, %dma_wait3A_508, %dma_wait3A_509] : memref<8x128x64xf32, #tpu.memory_space<vmem>> -> memref<1x128x64xf32, #tpu.memory_space<vmem>>
        %dma_wait3A_511 = tpu.memref_squeeze %dma_wait3A_510 : memref<1x128x64xf32, #tpu.memory_space<vmem>> -> memref<128x64xf32, #tpu.memory_space<vmem>>
        tpu.wait_dma2 semaphore(%arg15 : memref<!tpu.dma_semaphore, #tpu.memory_space<semaphore_mem>>) src(%dma_wait3A_511 : memref<128x64xf32, #tpu.memory_space<vmem>>) dst(%dma_wait3A_507 : memref<128x64xf32, #tpu.memory_space<hbm>>)
        %add3A_512 = arith.constant 8 : i32
        %add3A_513 = arith.addi %mul3A_208, %add3A_512 : i32
        %add3A_514 = arith.constant 0 : i32
        %add3A_515 = arith.addi %add3A_513, %add3A_514 : i32
        %mul3A_516 = arith.constant 128 : i32
        %mul3A_517 = arith.muli %add3A_515, %mul3A_516 : i32
        %dma_start3A_518 = arith.constant 0 : i32
        %dma_start3A_519 = arith.constant 0 : i32
        %dma_start3A_520 = arith.constant 0 : i32
        %dma_start3A_521 = tpu.memref_slice %arg6[%dma_start3A_518, %dma_start3A_519, %dma_start3A_520] : memref<8x128x64xf32, #tpu.memory_space<vmem>> -> memref<1x128x64xf32, #tpu.memory_space<vmem>>
        %dma_start3A_522 = tpu.memref_squeeze %dma_start3A_521 : memref<1x128x64xf32, #tpu.memory_space<vmem>> -> memref<128x64xf32, #tpu.memory_space<vmem>>
        %dma_start3A_523 = tpu.memref_slice %arg5[%mul3A_517] : memref<25600xi32, #tpu.memory_space<vmem>> -> memref<128xi32, #tpu.memory_space<vmem>>
        %dma_start3A_524 = arith.constant 0 : i32
        %dma_start3A_525 = arith.constant 0 : i32
        %dma_start3A_526 = tpu.memref_slice %arg3[%dma_start3A_524, %dma_start3A_525] : memref<1000000x64xf32, #tpu.memory_space<hbm>> -> memref<1000000x64xf32, #tpu.memory_space<hbm>>
        tpu.enqueue_indirect_dma source(%dma_start3A_526 : memref<1000000x64xf32, #tpu.memory_space<hbm>>) target(%dma_start3A_522 : memref<128x64xf32, #tpu.memory_space<vmem>>) offsets(%dma_start3A_523 : memref<128xi32, #tpu.memory_space<vmem>>) semaphore(%arg7 : memref<!tpu.dma_semaphore, #tpu.memory_space<semaphore_mem>>)
      } else {
      }
      %lt3A_459 = arith.constant 24 : i32
      %lt3A_460 = arith.cmpi slt, %scan3A_206, %lt3A_459 : i32
      %convert_element_type3A_461 = arith.extui %lt3A_460 : i1 to i32
      %cond3A_462 = arith.constant 0 : i32
      %cond3A_463 = arith.cmpi ne, %convert_element_type3A_461, %cond3A_462 : i32
      scf.if %cond3A_463 {
        %add3A_494 = arith.constant 1 : i32
        %add3A_495 = arith.addi %mul3A_208, %add3A_494 : i32
        %mul3A_496 = arith.constant 128 : i32
        %mul3A_497 = arith.muli %add3A_495, %mul3A_496 : i32
        %add3A_498 = arith.addi %mul3A_2, %mul3A_497 : i32
        %dma_wait3A_499 = arith.constant 1 : i32
        %dma_wait3A_500 = arith.constant 0 : i32
        %dma_wait3A_501 = arith.constant 0 : i32
        %dma_wait3A_502 = tpu.memref_slice %arg6[%dma_wait3A_499, %dma_wait3A_500, %dma_wait3A_501] : memref<8x128x64xf32, #tpu.memory_space<vmem>> -> memref<1x128x64xf32, #tpu.memory_space<vmem>>
        %dma_wait3A_503 = tpu.memref_squeeze %dma_wait3A_502 : memref<1x128x64xf32, #tpu.memory_space<vmem>> -> memref<128x64xf32, #tpu.memory_space<vmem>>
        %dma_wait3A_504 = arith.constant 0 : i32
        %dma_wait3A_505 = tpu.memref_slice %arg4[%add3A_498, %dma_wait3A_504] : memref<819200x64xf32, #tpu.memory_space<hbm>> -> memref<128x64xf32, #tpu.memory_space<hbm>>
        %dma_wait3A_506 = arith.constant 0 : i32
        %dma_wait3A_507 = tpu.memref_slice %arg4[%add3A_498, %dma_wait3A_506] : memref<819200x64xf32, #tpu.memory_space<hbm>> -> memref<128x64xf32, #tpu.memory_space<hbm>>
        %dma_wait3A_508 = arith.constant 0 : i32
        %dma_wait3A_509 = arith.constant 0 : i32
        %dma_wait3A_510 = tpu.memref_slice %arg6[%dma_wait3A_499, %dma_wait3A_508, %dma_wait3A_509] : memref<8x128x64xf32, #tpu.memory_space<vmem>> -> memref<1x128x64xf32, #tpu.memory_space<vmem>>
        %dma_wait3A_511 = tpu.memref_squeeze %dma_wait3A_510 : memref<1x128x64xf32, #tpu.memory_space<vmem>> -> memref<128x64xf32, #tpu.memory_space<vmem>>
        tpu.wait_dma2 semaphore(%arg16 : memref<!tpu.dma_semaphore, #tpu.memory_space<semaphore_mem>>) src(%dma_wait3A_511 : memref<128x64xf32, #tpu.memory_space<vmem>>) dst(%dma_wait3A_507 : memref<128x64xf32, #tpu.memory_space<hbm>>)
        %add3A_512 = arith.constant 8 : i32
        %add3A_513 = arith.addi %mul3A_208, %add3A_512 : i32
        %add3A_514 = arith.constant 1 : i32
        %add3A_515 = arith.addi %add3A_513, %add3A_514 : i32
        %mul3A_516 = arith.constant 128 : i32
        %mul3A_517 = arith.muli %add3A_515, %mul3A_516 : i32
        %dma_start3A_518 = arith.constant 1 : i32
        %dma_start3A_519 = arith.constant 0 : i32
        %dma_start3A_520 = arith.constant 0 : i32
        %dma_start3A_521 = tpu.memref_slice %arg6[%dma_start3A_518, %dma_start3A_519, %dma_start3A_520] : memref<8x128x64xf32, #tpu.memory_space<vmem>> -> memref<1x128x64xf32, #tpu.memory_space<vmem>>
        %dma_start3A_522 = tpu.memref_squeeze %dma_start3A_521 : memref<1x128x64xf32, #tpu.memory_space<vmem>> -> memref<128x64xf32, #tpu.memory_space<vmem>>
        %dma_start3A_523 = tpu.memref_slice %arg5[%mul3A_517] : memref<25600xi32, #tpu.memory_space<vmem>> -> memref<128xi32, #tpu.memory_space<vmem>>
        %dma_start3A_524 = arith.constant 0 : i32
        %dma_start3A_525 = arith.constant 0 : i32
        %dma_start3A_526 = tpu.memref_slice %arg3[%dma_start3A_524, %dma_start3A_525] : memref<1000000x64xf32, #tpu.memory_space<hbm>> -> memref<1000000x64xf32, #tpu.memory_space<hbm>>
        tpu.enqueue_indirect_dma source(%dma_start3A_526 : memref<1000000x64xf32, #tpu.memory_space<hbm>>) target(%dma_start3A_522 : memref<128x64xf32, #tpu.memory_space<vmem>>) offsets(%dma_start3A_523 : memref<128xi32, #tpu.memory_space<vmem>>) semaphore(%arg8 : memref<!tpu.dma_semaphore, #tpu.memory_space<semaphore_mem>>)
      } else {
      }
      %lt3A_464 = arith.constant 24 : i32
      %lt3A_465 = arith.cmpi slt, %scan3A_206, %lt3A_464 : i32
      %convert_element_type3A_466 = arith.extui %lt3A_465 : i1 to i32
      %cond3A_467 = arith.constant 0 : i32
      %cond3A_468 = arith.cmpi ne, %convert_element_type3A_466, %cond3A_467 : i32
      scf.if %cond3A_468 {
        %add3A_494 = arith.constant 2 : i32
        %add3A_495 = arith.addi %mul3A_208, %add3A_494 : i32
        %mul3A_496 = arith.constant 128 : i32
        %mul3A_497 = arith.muli %add3A_495, %mul3A_496 : i32
        %add3A_498 = arith.addi %mul3A_2, %mul3A_497 : i32
        %dma_wait3A_499 = arith.constant 2 : i32
        %dma_wait3A_500 = arith.constant 0 : i32
        %dma_wait3A_501 = arith.constant 0 : i32
        %dma_wait3A_502 = tpu.memref_slice %arg6[%dma_wait3A_499, %dma_wait3A_500, %dma_wait3A_501] : memref<8x128x64xf32, #tpu.memory_space<vmem>> -> memref<1x128x64xf32, #tpu.memory_space<vmem>>
        %dma_wait3A_503 = tpu.memref_squeeze %dma_wait3A_502 : memref<1x128x64xf32, #tpu.memory_space<vmem>> -> memref<128x64xf32, #tpu.memory_space<vmem>>
        %dma_wait3A_504 = arith.constant 0 : i32
        %dma_wait3A_505 = tpu.memref_slice %arg4[%add3A_498, %dma_wait3A_504] : memref<819200x64xf32, #tpu.memory_space<hbm>> -> memref<128x64xf32, #tpu.memory_space<hbm>>
        %dma_wait3A_506 = arith.constant 0 : i32
        %dma_wait3A_507 = tpu.memref_slice %arg4[%add3A_498, %dma_wait3A_506] : memref<819200x64xf32, #tpu.memory_space<hbm>> -> memref<128x64xf32, #tpu.memory_space<hbm>>
        %dma_wait3A_508 = arith.constant 0 : i32
        %dma_wait3A_509 = arith.constant 0 : i32
        %dma_wait3A_510 = tpu.memref_slice %arg6[%dma_wait3A_499, %dma_wait3A_508, %dma_wait3A_509] : memref<8x128x64xf32, #tpu.memory_space<vmem>> -> memref<1x128x64xf32, #tpu.memory_space<vmem>>
        %dma_wait3A_511 = tpu.memref_squeeze %dma_wait3A_510 : memref<1x128x64xf32, #tpu.memory_space<vmem>> -> memref<128x64xf32, #tpu.memory_space<vmem>>
        tpu.wait_dma2 semaphore(%arg17 : memref<!tpu.dma_semaphore, #tpu.memory_space<semaphore_mem>>) src(%dma_wait3A_511 : memref<128x64xf32, #tpu.memory_space<vmem>>) dst(%dma_wait3A_507 : memref<128x64xf32, #tpu.memory_space<hbm>>)
        %add3A_512 = arith.constant 8 : i32
        %add3A_513 = arith.addi %mul3A_208, %add3A_512 : i32
        %add3A_514 = arith.constant 2 : i32
        %add3A_515 = arith.addi %add3A_513, %add3A_514 : i32
        %mul3A_516 = arith.constant 128 : i32
        %mul3A_517 = arith.muli %add3A_515, %mul3A_516 : i32
        %dma_start3A_518 = arith.constant 2 : i32
        %dma_start3A_519 = arith.constant 0 : i32
        %dma_start3A_520 = arith.constant 0 : i32
        %dma_start3A_521 = tpu.memref_slice %arg6[%dma_start3A_518, %dma_start3A_519, %dma_start3A_520] : memref<8x128x64xf32, #tpu.memory_space<vmem>> -> memref<1x128x64xf32, #tpu.memory_space<vmem>>
        %dma_start3A_522 = tpu.memref_squeeze %dma_start3A_521 : memref<1x128x64xf32, #tpu.memory_space<vmem>> -> memref<128x64xf32, #tpu.memory_space<vmem>>
        %dma_start3A_523 = tpu.memref_slice %arg5[%mul3A_517] : memref<25600xi32, #tpu.memory_space<vmem>> -> memref<128xi32, #tpu.memory_space<vmem>>
        %dma_start3A_524 = arith.constant 0 : i32
        %dma_start3A_525 = arith.constant 0 : i32
        %dma_start3A_526 = tpu.memref_slice %arg3[%dma_start3A_524, %dma_start3A_525] : memref<1000000x64xf32, #tpu.memory_space<hbm>> -> memref<1000000x64xf32, #tpu.memory_space<hbm>>
        tpu.enqueue_indirect_dma source(%dma_start3A_526 : memref<1000000x64xf32, #tpu.memory_space<hbm>>) target(%dma_start3A_522 : memref<128x64xf32, #tpu.memory_space<vmem>>) offsets(%dma_start3A_523 : memref<128xi32, #tpu.memory_space<vmem>>) semaphore(%arg9 : memref<!tpu.dma_semaphore, #tpu.memory_space<semaphore_mem>>)
      } else {
      }
      %lt3A_469 = arith.constant 24 : i32
      %lt3A_470 = arith.cmpi slt, %scan3A_206, %lt3A_469 : i32
      %convert_element_type3A_471 = arith.extui %lt3A_470 : i1 to i32
      %cond3A_472 = arith.constant 0 : i32
      %cond3A_473 = arith.cmpi ne, %convert_element_type3A_471, %cond3A_472 : i32
      scf.if %cond3A_473 {
        %add3A_494 = arith.constant 3 : i32
        %add3A_495 = arith.addi %mul3A_208, %add3A_494 : i32
        %mul3A_496 = arith.constant 128 : i32
        %mul3A_497 = arith.muli %add3A_495, %mul3A_496 : i32
        %add3A_498 = arith.addi %mul3A_2, %mul3A_497 : i32
        %dma_wait3A_499 = arith.constant 3 : i32
        %dma_wait3A_500 = arith.constant 0 : i32
        %dma_wait3A_501 = arith.constant 0 : i32
        %dma_wait3A_502 = tpu.memref_slice %arg6[%dma_wait3A_499, %dma_wait3A_500, %dma_wait3A_501] : memref<8x128x64xf32, #tpu.memory_space<vmem>> -> memref<1x128x64xf32, #tpu.memory_space<vmem>>
        %dma_wait3A_503 = tpu.memref_squeeze %dma_wait3A_502 : memref<1x128x64xf32, #tpu.memory_space<vmem>> -> memref<128x64xf32, #tpu.memory_space<vmem>>
        %dma_wait3A_504 = arith.constant 0 : i32
        %dma_wait3A_505 = tpu.memref_slice %arg4[%add3A_498, %dma_wait3A_504] : memref<819200x64xf32, #tpu.memory_space<hbm>> -> memref<128x64xf32, #tpu.memory_space<hbm>>
        %dma_wait3A_506 = arith.constant 0 : i32
        %dma_wait3A_507 = tpu.memref_slice %arg4[%add3A_498, %dma_wait3A_506] : memref<819200x64xf32, #tpu.memory_space<hbm>> -> memref<128x64xf32, #tpu.memory_space<hbm>>
        %dma_wait3A_508 = arith.constant 0 : i32
        %dma_wait3A_509 = arith.constant 0 : i32
        %dma_wait3A_510 = tpu.memref_slice %arg6[%dma_wait3A_499, %dma_wait3A_508, %dma_wait3A_509] : memref<8x128x64xf32, #tpu.memory_space<vmem>> -> memref<1x128x64xf32, #tpu.memory_space<vmem>>
        %dma_wait3A_511 = tpu.memref_squeeze %dma_wait3A_510 : memref<1x128x64xf32, #tpu.memory_space<vmem>> -> memref<128x64xf32, #tpu.memory_space<vmem>>
        tpu.wait_dma2 semaphore(%arg18 : memref<!tpu.dma_semaphore, #tpu.memory_space<semaphore_mem>>) src(%dma_wait3A_511 : memref<128x64xf32, #tpu.memory_space<vmem>>) dst(%dma_wait3A_507 : memref<128x64xf32, #tpu.memory_space<hbm>>)
        %add3A_512 = arith.constant 8 : i32
        %add3A_513 = arith.addi %mul3A_208, %add3A_512 : i32
        %add3A_514 = arith.constant 3 : i32
        %add3A_515 = arith.addi %add3A_513, %add3A_514 : i32
        %mul3A_516 = arith.constant 128 : i32
        %mul3A_517 = arith.muli %add3A_515, %mul3A_516 : i32
        %dma_start3A_518 = arith.constant 3 : i32
        %dma_start3A_519 = arith.constant 0 : i32
        %dma_start3A_520 = arith.constant 0 : i32
        %dma_start3A_521 = tpu.memref_slice %arg6[%dma_start3A_518, %dma_start3A_519, %dma_start3A_520] : memref<8x128x64xf32, #tpu.memory_space<vmem>> -> memref<1x128x64xf32, #tpu.memory_space<vmem>>
        %dma_start3A_522 = tpu.memref_squeeze %dma_start3A_521 : memref<1x128x64xf32, #tpu.memory_space<vmem>> -> memref<128x64xf32, #tpu.memory_space<vmem>>
        %dma_start3A_523 = tpu.memref_slice %arg5[%mul3A_517] : memref<25600xi32, #tpu.memory_space<vmem>> -> memref<128xi32, #tpu.memory_space<vmem>>
        %dma_start3A_524 = arith.constant 0 : i32
        %dma_start3A_525 = arith.constant 0 : i32
        %dma_start3A_526 = tpu.memref_slice %arg3[%dma_start3A_524, %dma_start3A_525] : memref<1000000x64xf32, #tpu.memory_space<hbm>> -> memref<1000000x64xf32, #tpu.memory_space<hbm>>
        tpu.enqueue_indirect_dma source(%dma_start3A_526 : memref<1000000x64xf32, #tpu.memory_space<hbm>>) target(%dma_start3A_522 : memref<128x64xf32, #tpu.memory_space<vmem>>) offsets(%dma_start3A_523 : memref<128xi32, #tpu.memory_space<vmem>>) semaphore(%arg10 : memref<!tpu.dma_semaphore, #tpu.memory_space<semaphore_mem>>)
      } else {
      }
      %lt3A_474 = arith.constant 24 : i32
      %lt3A_475 = arith.cmpi slt, %scan3A_206, %lt3A_474 : i32
      %convert_element_type3A_476 = arith.extui %lt3A_475 : i1 to i32
      %cond3A_477 = arith.constant 0 : i32
      %cond3A_478 = arith.cmpi ne, %convert_element_type3A_476, %cond3A_477 : i32
      scf.if %cond3A_478 {
        %add3A_494 = arith.constant 4 : i32
        %add3A_495 = arith.addi %mul3A_208, %add3A_494 : i32
        %mul3A_496 = arith.constant 128 : i32
        %mul3A_497 = arith.muli %add3A_495, %mul3A_496 : i32
        %add3A_498 = arith.addi %mul3A_2, %mul3A_497 : i32
        %dma_wait3A_499 = arith.constant 4 : i32
        %dma_wait3A_500 = arith.constant 0 : i32
        %dma_wait3A_501 = arith.constant 0 : i32
        %dma_wait3A_502 = tpu.memref_slice %arg6[%dma_wait3A_499, %dma_wait3A_500, %dma_wait3A_501] : memref<8x128x64xf32, #tpu.memory_space<vmem>> -> memref<1x128x64xf32, #tpu.memory_space<vmem>>
        %dma_wait3A_503 = tpu.memref_squeeze %dma_wait3A_502 : memref<1x128x64xf32, #tpu.memory_space<vmem>> -> memref<128x64xf32, #tpu.memory_space<vmem>>
        %dma_wait3A_504 = arith.constant 0 : i32
        %dma_wait3A_505 = tpu.memref_slice %arg4[%add3A_498, %dma_wait3A_504] : memref<819200x64xf32, #tpu.memory_space<hbm>> -> memref<128x64xf32, #tpu.memory_space<hbm>>
        %dma_wait3A_506 = arith.constant 0 : i32
        %dma_wait3A_507 = tpu.memref_slice %arg4[%add3A_498, %dma_wait3A_506] : memref<819200x64xf32, #tpu.memory_space<hbm>> -> memref<128x64xf32, #tpu.memory_space<hbm>>
        %dma_wait3A_508 = arith.constant 0 : i32
        %dma_wait3A_509 = arith.constant 0 : i32
        %dma_wait3A_510 = tpu.memref_slice %arg6[%dma_wait3A_499, %dma_wait3A_508, %dma_wait3A_509] : memref<8x128x64xf32, #tpu.memory_space<vmem>> -> memref<1x128x64xf32, #tpu.memory_space<vmem>>
        %dma_wait3A_511 = tpu.memref_squeeze %dma_wait3A_510 : memref<1x128x64xf32, #tpu.memory_space<vmem>> -> memref<128x64xf32, #tpu.memory_space<vmem>>
        tpu.wait_dma2 semaphore(%arg19 : memref<!tpu.dma_semaphore, #tpu.memory_space<semaphore_mem>>) src(%dma_wait3A_511 : memref<128x64xf32, #tpu.memory_space<vmem>>) dst(%dma_wait3A_507 : memref<128x64xf32, #tpu.memory_space<hbm>>)
        %add3A_512 = arith.constant 8 : i32
        %add3A_513 = arith.addi %mul3A_208, %add3A_512 : i32
        %add3A_514 = arith.constant 4 : i32
        %add3A_515 = arith.addi %add3A_513, %add3A_514 : i32
        %mul3A_516 = arith.constant 128 : i32
        %mul3A_517 = arith.muli %add3A_515, %mul3A_516 : i32
        %dma_start3A_518 = arith.constant 4 : i32
        %dma_start3A_519 = arith.constant 0 : i32
        %dma_start3A_520 = arith.constant 0 : i32
        %dma_start3A_521 = tpu.memref_slice %arg6[%dma_start3A_518, %dma_start3A_519, %dma_start3A_520] : memref<8x128x64xf32, #tpu.memory_space<vmem>> -> memref<1x128x64xf32, #tpu.memory_space<vmem>>
        %dma_start3A_522 = tpu.memref_squeeze %dma_start3A_521 : memref<1x128x64xf32, #tpu.memory_space<vmem>> -> memref<128x64xf32, #tpu.memory_space<vmem>>
        %dma_start3A_523 = tpu.memref_slice %arg5[%mul3A_517] : memref<25600xi32, #tpu.memory_space<vmem>> -> memref<128xi32, #tpu.memory_space<vmem>>
        %dma_start3A_524 = arith.constant 0 : i32
        %dma_start3A_525 = arith.constant 0 : i32
        %dma_start3A_526 = tpu.memref_slice %arg3[%dma_start3A_524, %dma_start3A_525] : memref<1000000x64xf32, #tpu.memory_space<hbm>> -> memref<1000000x64xf32, #tpu.memory_space<hbm>>
        tpu.enqueue_indirect_dma source(%dma_start3A_526 : memref<1000000x64xf32, #tpu.memory_space<hbm>>) target(%dma_start3A_522 : memref<128x64xf32, #tpu.memory_space<vmem>>) offsets(%dma_start3A_523 : memref<128xi32, #tpu.memory_space<vmem>>) semaphore(%arg11 : memref<!tpu.dma_semaphore, #tpu.memory_space<semaphore_mem>>)
      } else {
      }
      %lt3A_479 = arith.constant 24 : i32
      %lt3A_480 = arith.cmpi slt, %scan3A_206, %lt3A_479 : i32
      %convert_element_type3A_481 = arith.extui %lt3A_480 : i1 to i32
      %cond3A_482 = arith.constant 0 : i32
      %cond3A_483 = arith.cmpi ne, %convert_element_type3A_481, %cond3A_482 : i32
      scf.if %cond3A_483 {
        %add3A_494 = arith.constant 5 : i32
        %add3A_495 = arith.addi %mul3A_208, %add3A_494 : i32
        %mul3A_496 = arith.constant 128 : i32
        %mul3A_497 = arith.muli %add3A_495, %mul3A_496 : i32
        %add3A_498 = arith.addi %mul3A_2, %mul3A_497 : i32
        %dma_wait3A_499 = arith.constant 5 : i32
        %dma_wait3A_500 = arith.constant 0 : i32
        %dma_wait3A_501 = arith.constant 0 : i32
        %dma_wait3A_502 = tpu.memref_slice %arg6[%dma_wait3A_499, %dma_wait3A_500, %dma_wait3A_501] : memref<8x128x64xf32, #tpu.memory_space<vmem>> -> memref<1x128x64xf32, #tpu.memory_space<vmem>>
        %dma_wait3A_503 = tpu.memref_squeeze %dma_wait3A_502 : memref<1x128x64xf32, #tpu.memory_space<vmem>> -> memref<128x64xf32, #tpu.memory_space<vmem>>
        %dma_wait3A_504 = arith.constant 0 : i32
        %dma_wait3A_505 = tpu.memref_slice %arg4[%add3A_498, %dma_wait3A_504] : memref<819200x64xf32, #tpu.memory_space<hbm>> -> memref<128x64xf32, #tpu.memory_space<hbm>>
        %dma_wait3A_506 = arith.constant 0 : i32
        %dma_wait3A_507 = tpu.memref_slice %arg4[%add3A_498, %dma_wait3A_506] : memref<819200x64xf32, #tpu.memory_space<hbm>> -> memref<128x64xf32, #tpu.memory_space<hbm>>
        %dma_wait3A_508 = arith.constant 0 : i32
        %dma_wait3A_509 = arith.constant 0 : i32
        %dma_wait3A_510 = tpu.memref_slice %arg6[%dma_wait3A_499, %dma_wait3A_508, %dma_wait3A_509] : memref<8x128x64xf32, #tpu.memory_space<vmem>> -> memref<1x128x64xf32, #tpu.memory_space<vmem>>
        %dma_wait3A_511 = tpu.memref_squeeze %dma_wait3A_510 : memref<1x128x64xf32, #tpu.memory_space<vmem>> -> memref<128x64xf32, #tpu.memory_space<vmem>>
        tpu.wait_dma2 semaphore(%arg20 : memref<!tpu.dma_semaphore, #tpu.memory_space<semaphore_mem>>) src(%dma_wait3A_511 : memref<128x64xf32, #tpu.memory_space<vmem>>) dst(%dma_wait3A_507 : memref<128x64xf32, #tpu.memory_space<hbm>>)
        %add3A_512 = arith.constant 8 : i32
        %add3A_513 = arith.addi %mul3A_208, %add3A_512 : i32
        %add3A_514 = arith.constant 5 : i32
        %add3A_515 = arith.addi %add3A_513, %add3A_514 : i32
        %mul3A_516 = arith.constant 128 : i32
        %mul3A_517 = arith.muli %add3A_515, %mul3A_516 : i32
        %dma_start3A_518 = arith.constant 5 : i32
        %dma_start3A_519 = arith.constant 0 : i32
        %dma_start3A_520 = arith.constant 0 : i32
        %dma_start3A_521 = tpu.memref_slice %arg6[%dma_start3A_518, %dma_start3A_519, %dma_start3A_520] : memref<8x128x64xf32, #tpu.memory_space<vmem>> -> memref<1x128x64xf32, #tpu.memory_space<vmem>>
        %dma_start3A_522 = tpu.memref_squeeze %dma_start3A_521 : memref<1x128x64xf32, #tpu.memory_space<vmem>> -> memref<128x64xf32, #tpu.memory_space<vmem>>
        %dma_start3A_523 = tpu.memref_slice %arg5[%mul3A_517] : memref<25600xi32, #tpu.memory_space<vmem>> -> memref<128xi32, #tpu.memory_space<vmem>>
        %dma_start3A_524 = arith.constant 0 : i32
        %dma_start3A_525 = arith.constant 0 : i32
        %dma_start3A_526 = tpu.memref_slice %arg3[%dma_start3A_524, %dma_start3A_525] : memref<1000000x64xf32, #tpu.memory_space<hbm>> -> memref<1000000x64xf32, #tpu.memory_space<hbm>>
        tpu.enqueue_indirect_dma source(%dma_start3A_526 : memref<1000000x64xf32, #tpu.memory_space<hbm>>) target(%dma_start3A_522 : memref<128x64xf32, #tpu.memory_space<vmem>>) offsets(%dma_start3A_523 : memref<128xi32, #tpu.memory_space<vmem>>) semaphore(%arg12 : memref<!tpu.dma_semaphore, #tpu.memory_space<semaphore_mem>>)
      } else {
      }
      %lt3A_484 = arith.constant 24 : i32
      %lt3A_485 = arith.cmpi slt, %scan3A_206, %lt3A_484 : i32
      %convert_element_type3A_486 = arith.extui %lt3A_485 : i1 to i32
      %cond3A_487 = arith.constant 0 : i32
      %cond3A_488 = arith.cmpi ne, %convert_element_type3A_486, %cond3A_487 : i32
      scf.if %cond3A_488 {
        %add3A_494 = arith.constant 6 : i32
        %add3A_495 = arith.addi %mul3A_208, %add3A_494 : i32
        %mul3A_496 = arith.constant 128 : i32
        %mul3A_497 = arith.muli %add3A_495, %mul3A_496 : i32
        %add3A_498 = arith.addi %mul3A_2, %mul3A_497 : i32
        %dma_wait3A_499 = arith.constant 6 : i32
        %dma_wait3A_500 = arith.constant 0 : i32
        %dma_wait3A_501 = arith.constant 0 : i32
        %dma_wait3A_502 = tpu.memref_slice %arg6[%dma_wait3A_499, %dma_wait3A_500, %dma_wait3A_501] : memref<8x128x64xf32, #tpu.memory_space<vmem>> -> memref<1x128x64xf32, #tpu.memory_space<vmem>>
        %dma_wait3A_503 = tpu.memref_squeeze %dma_wait3A_502 : memref<1x128x64xf32, #tpu.memory_space<vmem>> -> memref<128x64xf32, #tpu.memory_space<vmem>>
        %dma_wait3A_504 = arith.constant 0 : i32
        %dma_wait3A_505 = tpu.memref_slice %arg4[%add3A_498, %dma_wait3A_504] : memref<819200x64xf32, #tpu.memory_space<hbm>> -> memref<128x64xf32, #tpu.memory_space<hbm>>
        %dma_wait3A_506 = arith.constant 0 : i32
        %dma_wait3A_507 = tpu.memref_slice %arg4[%add3A_498, %dma_wait3A_506] : memref<819200x64xf32, #tpu.memory_space<hbm>> -> memref<128x64xf32, #tpu.memory_space<hbm>>
        %dma_wait3A_508 = arith.constant 0 : i32
        %dma_wait3A_509 = arith.constant 0 : i32
        %dma_wait3A_510 = tpu.memref_slice %arg6[%dma_wait3A_499, %dma_wait3A_508, %dma_wait3A_509] : memref<8x128x64xf32, #tpu.memory_space<vmem>> -> memref<1x128x64xf32, #tpu.memory_space<vmem>>
        %dma_wait3A_511 = tpu.memref_squeeze %dma_wait3A_510 : memref<1x128x64xf32, #tpu.memory_space<vmem>> -> memref<128x64xf32, #tpu.memory_space<vmem>>
        tpu.wait_dma2 semaphore(%arg21 : memref<!tpu.dma_semaphore, #tpu.memory_space<semaphore_mem>>) src(%dma_wait3A_511 : memref<128x64xf32, #tpu.memory_space<vmem>>) dst(%dma_wait3A_507 : memref<128x64xf32, #tpu.memory_space<hbm>>)
        %add3A_512 = arith.constant 8 : i32
        %add3A_513 = arith.addi %mul3A_208, %add3A_512 : i32
        %add3A_514 = arith.constant 6 : i32
        %add3A_515 = arith.addi %add3A_513, %add3A_514 : i32
        %mul3A_516 = arith.constant 128 : i32
        %mul3A_517 = arith.muli %add3A_515, %mul3A_516 : i32
        %dma_start3A_518 = arith.constant 6 : i32
        %dma_start3A_519 = arith.constant 0 : i32
        %dma_start3A_520 = arith.constant 0 : i32
        %dma_start3A_521 = tpu.memref_slice %arg6[%dma_start3A_518, %dma_start3A_519, %dma_start3A_520] : memref<8x128x64xf32, #tpu.memory_space<vmem>> -> memref<1x128x64xf32, #tpu.memory_space<vmem>>
        %dma_start3A_522 = tpu.memref_squeeze %dma_start3A_521 : memref<1x128x64xf32, #tpu.memory_space<vmem>> -> memref<128x64xf32, #tpu.memory_space<vmem>>
        %dma_start3A_523 = tpu.memref_slice %arg5[%mul3A_517] : memref<25600xi32, #tpu.memory_space<vmem>> -> memref<128xi32, #tpu.memory_space<vmem>>
        %dma_start3A_524 = arith.constant 0 : i32
        %dma_start3A_525 = arith.constant 0 : i32
        %dma_start3A_526 = tpu.memref_slice %arg3[%dma_start3A_524, %dma_start3A_525] : memref<1000000x64xf32, #tpu.memory_space<hbm>> -> memref<1000000x64xf32, #tpu.memory_space<hbm>>
        tpu.enqueue_indirect_dma source(%dma_start3A_526 : memref<1000000x64xf32, #tpu.memory_space<hbm>>) target(%dma_start3A_522 : memref<128x64xf32, #tpu.memory_space<vmem>>) offsets(%dma_start3A_523 : memref<128xi32, #tpu.memory_space<vmem>>) semaphore(%arg13 : memref<!tpu.dma_semaphore, #tpu.memory_space<semaphore_mem>>)
      } else {
      }
      %lt3A_489 = arith.constant 24 : i32
      %lt3A_490 = arith.cmpi slt, %scan3A_206, %lt3A_489 : i32
      %convert_element_type3A_491 = arith.extui %lt3A_490 : i1 to i32
      %cond3A_492 = arith.constant 0 : i32
      %cond3A_493 = arith.cmpi ne, %convert_element_type3A_491, %cond3A_492 : i32
      scf.if %cond3A_493 {
        %add3A_494 = arith.constant 7 : i32
        %add3A_495 = arith.addi %mul3A_208, %add3A_494 : i32
        %mul3A_496 = arith.constant 128 : i32
        %mul3A_497 = arith.muli %add3A_495, %mul3A_496 : i32
        %add3A_498 = arith.addi %mul3A_2, %mul3A_497 : i32
        %dma_wait3A_499 = arith.constant 7 : i32
        %dma_wait3A_500 = arith.constant 0 : i32
        %dma_wait3A_501 = arith.constant 0 : i32
        %dma_wait3A_502 = tpu.memref_slice %arg6[%dma_wait3A_499, %dma_wait3A_500, %dma_wait3A_501] : memref<8x128x64xf32, #tpu.memory_space<vmem>> -> memref<1x128x64xf32, #tpu.memory_space<vmem>>
        %dma_wait3A_503 = tpu.memref_squeeze %dma_wait3A_502 : memref<1x128x64xf32, #tpu.memory_space<vmem>> -> memref<128x64xf32, #tpu.memory_space<vmem>>
        %dma_wait3A_504 = arith.constant 0 : i32
        %dma_wait3A_505 = tpu.memref_slice %arg4[%add3A_498, %dma_wait3A_504] : memref<819200x64xf32, #tpu.memory_space<hbm>> -> memref<128x64xf32, #tpu.memory_space<hbm>>
        %dma_wait3A_506 = arith.constant 0 : i32
        %dma_wait3A_507 = tpu.memref_slice %arg4[%add3A_498, %dma_wait3A_506] : memref<819200x64xf32, #tpu.memory_space<hbm>> -> memref<128x64xf32, #tpu.memory_space<hbm>>
        %dma_wait3A_508 = arith.constant 0 : i32
        %dma_wait3A_509 = arith.constant 0 : i32
        %dma_wait3A_510 = tpu.memref_slice %arg6[%dma_wait3A_499, %dma_wait3A_508, %dma_wait3A_509] : memref<8x128x64xf32, #tpu.memory_space<vmem>> -> memref<1x128x64xf32, #tpu.memory_space<vmem>>
        %dma_wait3A_511 = tpu.memref_squeeze %dma_wait3A_510 : memref<1x128x64xf32, #tpu.memory_space<vmem>> -> memref<128x64xf32, #tpu.memory_space<vmem>>
        tpu.wait_dma2 semaphore(%arg22 : memref<!tpu.dma_semaphore, #tpu.memory_space<semaphore_mem>>) src(%dma_wait3A_511 : memref<128x64xf32, #tpu.memory_space<vmem>>) dst(%dma_wait3A_507 : memref<128x64xf32, #tpu.memory_space<hbm>>)
        %add3A_512 = arith.constant 8 : i32
        %add3A_513 = arith.addi %mul3A_208, %add3A_512 : i32
        %add3A_514 = arith.constant 7 : i32
        %add3A_515 = arith.addi %add3A_513, %add3A_514 : i32
        %mul3A_516 = arith.constant 128 : i32
        %mul3A_517 = arith.muli %add3A_515, %mul3A_516 : i32
        %dma_start3A_518 = arith.constant 7 : i32
        %dma_start3A_519 = arith.constant 0 : i32
        %dma_start3A_520 = arith.constant 0 : i32
        %dma_start3A_521 = tpu.memref_slice %arg6[%dma_start3A_518, %dma_start3A_519, %dma_start3A_520] : memref<8x128x64xf32, #tpu.memory_space<vmem>> -> memref<1x128x64xf32, #tpu.memory_space<vmem>>
        %dma_start3A_522 = tpu.memref_squeeze %dma_start3A_521 : memref<1x128x64xf32, #tpu.memory_space<vmem>> -> memref<128x64xf32, #tpu.memory_space<vmem>>
        %dma_start3A_523 = tpu.memref_slice %arg5[%mul3A_517] : memref<25600xi32, #tpu.memory_space<vmem>> -> memref<128xi32, #tpu.memory_space<vmem>>
        %dma_start3A_524 = arith.constant 0 : i32
        %dma_start3A_525 = arith.constant 0 : i32
        %dma_start3A_526 = tpu.memref_slice %arg3[%dma_start3A_524, %dma_start3A_525] : memref<1000000x64xf32, #tpu.memory_space<hbm>> -> memref<1000000x64xf32, #tpu.memory_space<hbm>>
        tpu.enqueue_indirect_dma source(%dma_start3A_526 : memref<1000000x64xf32, #tpu.memory_space<hbm>>) target(%dma_start3A_522 : memref<128x64xf32, #tpu.memory_space<vmem>>) offsets(%dma_start3A_523 : memref<128xi32, #tpu.memory_space<vmem>>) semaphore(%arg14 : memref<!tpu.dma_semaphore, #tpu.memory_space<semaphore_mem>>)
      } else {
      }
    }
    %scan3A_86 = arith.constant 25 : i32
    %add3A_87 = arith.constant 24576 : i32
    %add3A_88 = arith.addi %mul3A_2, %add3A_87 : i32
    %dma_wait3A = arith.constant 0 : i32
    %dma_wait3A_89 = arith.constant 0 : i32
    %dma_wait3A_90 = arith.constant 0 : i32
    %dma_wait3A_91 = tpu.memref_slice %arg6[%dma_wait3A, %dma_wait3A_89, %dma_wait3A_90] : memref<8x128x64xf32, #tpu.memory_space<vmem>> -> memref<1x128x64xf32, #tpu.memory_space<vmem>>
    %dma_wait3A_92 = tpu.memref_squeeze %dma_wait3A_91 : memref<1x128x64xf32, #tpu.memory_space<vmem>> -> memref<128x64xf32, #tpu.memory_space<vmem>>
    %dma_wait3A_93 = arith.constant 0 : i32
    %dma_wait3A_94 = tpu.memref_slice %arg4[%add3A_88, %dma_wait3A_93] : memref<819200x64xf32, #tpu.memory_space<hbm>> -> memref<128x64xf32, #tpu.memory_space<hbm>>
    %dma_wait3A_95 = arith.constant 0 : i32
    %dma_wait3A_96 = tpu.memref_slice %arg4[%add3A_88, %dma_wait3A_95] : memref<819200x64xf32, #tpu.memory_space<hbm>> -> memref<128x64xf32, #tpu.memory_space<hbm>>
    %dma_wait3A_97 = arith.constant 0 : i32
    %dma_wait3A_98 = arith.constant 0 : i32
    %dma_wait3A_99 = tpu.memref_slice %arg6[%dma_wait3A, %dma_wait3A_97, %dma_wait3A_98] : memref<8x128x64xf32, #tpu.memory_space<vmem>> -> memref<1x128x64xf32, #tpu.memory_space<vmem>>
    %dma_wait3A_100 = tpu.memref_squeeze %dma_wait3A_99 : memref<1x128x64xf32, #tpu.memory_space<vmem>> -> memref<128x64xf32, #tpu.memory_space<vmem>>
    tpu.wait_dma2 semaphore(%arg15 : memref<!tpu.dma_semaphore, #tpu.memory_space<semaphore_mem>>) src(%dma_wait3A_100 : memref<128x64xf32, #tpu.memory_space<vmem>>) dst(%dma_wait3A_96 : memref<128x64xf32, #tpu.memory_space<hbm>>)
    %add3A_101 = arith.constant 24704 : i32
    %add3A_102 = arith.addi %mul3A_2, %add3A_101 : i32
    %dma_wait3A_103 = arith.constant 1 : i32
    %dma_wait3A_104 = arith.constant 0 : i32
    %dma_wait3A_105 = arith.constant 0 : i32
    %dma_wait3A_106 = tpu.memref_slice %arg6[%dma_wait3A_103, %dma_wait3A_104, %dma_wait3A_105] : memref<8x128x64xf32, #tpu.memory_space<vmem>> -> memref<1x128x64xf32, #tpu.memory_space<vmem>>
    %dma_wait3A_107 = tpu.memref_squeeze %dma_wait3A_106 : memref<1x128x64xf32, #tpu.memory_space<vmem>> -> memref<128x64xf32, #tpu.memory_space<vmem>>
    %dma_wait3A_108 = arith.constant 0 : i32
    %dma_wait3A_109 = tpu.memref_slice %arg4[%add3A_102, %dma_wait3A_108] : memref<819200x64xf32, #tpu.memory_space<hbm>> -> memref<128x64xf32, #tpu.memory_space<hbm>>
    %dma_wait3A_110 = arith.constant 0 : i32
    %dma_wait3A_111 = tpu.memref_slice %arg4[%add3A_102, %dma_wait3A_110] : memref<819200x64xf32, #tpu.memory_space<hbm>> -> memref<128x64xf32, #tpu.memory_space<hbm>>
    %dma_wait3A_112 = arith.constant 0 : i32
    %dma_wait3A_113 = arith.constant 0 : i32
    %dma_wait3A_114 = tpu.memref_slice %arg6[%dma_wait3A_103, %dma_wait3A_112, %dma_wait3A_113] : memref<8x128x64xf32, #tpu.memory_space<vmem>> -> memref<1x128x64xf32, #tpu.memory_space<vmem>>
    %dma_wait3A_115 = tpu.memref_squeeze %dma_wait3A_114 : memref<1x128x64xf32, #tpu.memory_space<vmem>> -> memref<128x64xf32, #tpu.memory_space<vmem>>
    tpu.wait_dma2 semaphore(%arg16 : memref<!tpu.dma_semaphore, #tpu.memory_space<semaphore_mem>>) src(%dma_wait3A_115 : memref<128x64xf32, #tpu.memory_space<vmem>>) dst(%dma_wait3A_111 : memref<128x64xf32, #tpu.memory_space<hbm>>)
    %add3A_116 = arith.constant 24832 : i32
    %add3A_117 = arith.addi %mul3A_2, %add3A_116 : i32
    %dma_wait3A_118 = arith.constant 2 : i32
    %dma_wait3A_119 = arith.constant 0 : i32
    %dma_wait3A_120 = arith.constant 0 : i32
    %dma_wait3A_121 = tpu.memref_slice %arg6[%dma_wait3A_118, %dma_wait3A_119, %dma_wait3A_120] : memref<8x128x64xf32, #tpu.memory_space<vmem>> -> memref<1x128x64xf32, #tpu.memory_space<vmem>>
    %dma_wait3A_122 = tpu.memref_squeeze %dma_wait3A_121 : memref<1x128x64xf32, #tpu.memory_space<vmem>> -> memref<128x64xf32, #tpu.memory_space<vmem>>
    %dma_wait3A_123 = arith.constant 0 : i32
    %dma_wait3A_124 = tpu.memref_slice %arg4[%add3A_117, %dma_wait3A_123] : memref<819200x64xf32, #tpu.memory_space<hbm>> -> memref<128x64xf32, #tpu.memory_space<hbm>>
    %dma_wait3A_125 = arith.constant 0 : i32
    %dma_wait3A_126 = tpu.memref_slice %arg4[%add3A_117, %dma_wait3A_125] : memref<819200x64xf32, #tpu.memory_space<hbm>> -> memref<128x64xf32, #tpu.memory_space<hbm>>
    %dma_wait3A_127 = arith.constant 0 : i32
    %dma_wait3A_128 = arith.constant 0 : i32
    %dma_wait3A_129 = tpu.memref_slice %arg6[%dma_wait3A_118, %dma_wait3A_127, %dma_wait3A_128] : memref<8x128x64xf32, #tpu.memory_space<vmem>> -> memref<1x128x64xf32, #tpu.memory_space<vmem>>
    %dma_wait3A_130 = tpu.memref_squeeze %dma_wait3A_129 : memref<1x128x64xf32, #tpu.memory_space<vmem>> -> memref<128x64xf32, #tpu.memory_space<vmem>>
    tpu.wait_dma2 semaphore(%arg17 : memref<!tpu.dma_semaphore, #tpu.memory_space<semaphore_mem>>) src(%dma_wait3A_130 : memref<128x64xf32, #tpu.memory_space<vmem>>) dst(%dma_wait3A_126 : memref<128x64xf32, #tpu.memory_space<hbm>>)
    %add3A_131 = arith.constant 24960 : i32
    %add3A_132 = arith.addi %mul3A_2, %add3A_131 : i32
    %dma_wait3A_133 = arith.constant 3 : i32
    %dma_wait3A_134 = arith.constant 0 : i32
    %dma_wait3A_135 = arith.constant 0 : i32
    %dma_wait3A_136 = tpu.memref_slice %arg6[%dma_wait3A_133, %dma_wait3A_134, %dma_wait3A_135] : memref<8x128x64xf32, #tpu.memory_space<vmem>> -> memref<1x128x64xf32, #tpu.memory_space<vmem>>
    %dma_wait3A_137 = tpu.memref_squeeze %dma_wait3A_136 : memref<1x128x64xf32, #tpu.memory_space<vmem>> -> memref<128x64xf32, #tpu.memory_space<vmem>>
    %dma_wait3A_138 = arith.constant 0 : i32
    %dma_wait3A_139 = tpu.memref_slice %arg4[%add3A_132, %dma_wait3A_138] : memref<819200x64xf32, #tpu.memory_space<hbm>> -> memref<128x64xf32, #tpu.memory_space<hbm>>
    %dma_wait3A_140 = arith.constant 0 : i32
    %dma_wait3A_141 = tpu.memref_slice %arg4[%add3A_132, %dma_wait3A_140] : memref<819200x64xf32, #tpu.memory_space<hbm>> -> memref<128x64xf32, #tpu.memory_space<hbm>>
    %dma_wait3A_142 = arith.constant 0 : i32
    %dma_wait3A_143 = arith.constant 0 : i32
    %dma_wait3A_144 = tpu.memref_slice %arg6[%dma_wait3A_133, %dma_wait3A_142, %dma_wait3A_143] : memref<8x128x64xf32, #tpu.memory_space<vmem>> -> memref<1x128x64xf32, #tpu.memory_space<vmem>>
    %dma_wait3A_145 = tpu.memref_squeeze %dma_wait3A_144 : memref<1x128x64xf32, #tpu.memory_space<vmem>> -> memref<128x64xf32, #tpu.memory_space<vmem>>
    tpu.wait_dma2 semaphore(%arg18 : memref<!tpu.dma_semaphore, #tpu.memory_space<semaphore_mem>>) src(%dma_wait3A_145 : memref<128x64xf32, #tpu.memory_space<vmem>>) dst(%dma_wait3A_141 : memref<128x64xf32, #tpu.memory_space<hbm>>)
    %add3A_146 = arith.constant 25088 : i32
    %add3A_147 = arith.addi %mul3A_2, %add3A_146 : i32
    %dma_wait3A_148 = arith.constant 4 : i32
    %dma_wait3A_149 = arith.constant 0 : i32
    %dma_wait3A_150 = arith.constant 0 : i32
    %dma_wait3A_151 = tpu.memref_slice %arg6[%dma_wait3A_148, %dma_wait3A_149, %dma_wait3A_150] : memref<8x128x64xf32, #tpu.memory_space<vmem>> -> memref<1x128x64xf32, #tpu.memory_space<vmem>>
    %dma_wait3A_152 = tpu.memref_squeeze %dma_wait3A_151 : memref<1x128x64xf32, #tpu.memory_space<vmem>> -> memref<128x64xf32, #tpu.memory_space<vmem>>
    %dma_wait3A_153 = arith.constant 0 : i32
    %dma_wait3A_154 = tpu.memref_slice %arg4[%add3A_147, %dma_wait3A_153] : memref<819200x64xf32, #tpu.memory_space<hbm>> -> memref<128x64xf32, #tpu.memory_space<hbm>>
    %dma_wait3A_155 = arith.constant 0 : i32
    %dma_wait3A_156 = tpu.memref_slice %arg4[%add3A_147, %dma_wait3A_155] : memref<819200x64xf32, #tpu.memory_space<hbm>> -> memref<128x64xf32, #tpu.memory_space<hbm>>
    %dma_wait3A_157 = arith.constant 0 : i32
    %dma_wait3A_158 = arith.constant 0 : i32
    %dma_wait3A_159 = tpu.memref_slice %arg6[%dma_wait3A_148, %dma_wait3A_157, %dma_wait3A_158] : memref<8x128x64xf32, #tpu.memory_space<vmem>> -> memref<1x128x64xf32, #tpu.memory_space<vmem>>
    %dma_wait3A_160 = tpu.memref_squeeze %dma_wait3A_159 : memref<1x128x64xf32, #tpu.memory_space<vmem>> -> memref<128x64xf32, #tpu.memory_space<vmem>>
    tpu.wait_dma2 semaphore(%arg19 : memref<!tpu.dma_semaphore, #tpu.memory_space<semaphore_mem>>) src(%dma_wait3A_160 : memref<128x64xf32, #tpu.memory_space<vmem>>) dst(%dma_wait3A_156 : memref<128x64xf32, #tpu.memory_space<hbm>>)
    %add3A_161 = arith.constant 25216 : i32
    %add3A_162 = arith.addi %mul3A_2, %add3A_161 : i32
    %dma_wait3A_163 = arith.constant 5 : i32
    %dma_wait3A_164 = arith.constant 0 : i32
    %dma_wait3A_165 = arith.constant 0 : i32
    %dma_wait3A_166 = tpu.memref_slice %arg6[%dma_wait3A_163, %dma_wait3A_164, %dma_wait3A_165] : memref<8x128x64xf32, #tpu.memory_space<vmem>> -> memref<1x128x64xf32, #tpu.memory_space<vmem>>
    %dma_wait3A_167 = tpu.memref_squeeze %dma_wait3A_166 : memref<1x128x64xf32, #tpu.memory_space<vmem>> -> memref<128x64xf32, #tpu.memory_space<vmem>>
    %dma_wait3A_168 = arith.constant 0 : i32
    %dma_wait3A_169 = tpu.memref_slice %arg4[%add3A_162, %dma_wait3A_168] : memref<819200x64xf32, #tpu.memory_space<hbm>> -> memref<128x64xf32, #tpu.memory_space<hbm>>
    %dma_wait3A_170 = arith.constant 0 : i32
    %dma_wait3A_171 = tpu.memref_slice %arg4[%add3A_162, %dma_wait3A_170] : memref<819200x64xf32, #tpu.memory_space<hbm>> -> memref<128x64xf32, #tpu.memory_space<hbm>>
    %dma_wait3A_172 = arith.constant 0 : i32
    %dma_wait3A_173 = arith.constant 0 : i32
    %dma_wait3A_174 = tpu.memref_slice %arg6[%dma_wait3A_163, %dma_wait3A_172, %dma_wait3A_173] : memref<8x128x64xf32, #tpu.memory_space<vmem>> -> memref<1x128x64xf32, #tpu.memory_space<vmem>>
    %dma_wait3A_175 = tpu.memref_squeeze %dma_wait3A_174 : memref<1x128x64xf32, #tpu.memory_space<vmem>> -> memref<128x64xf32, #tpu.memory_space<vmem>>
    tpu.wait_dma2 semaphore(%arg20 : memref<!tpu.dma_semaphore, #tpu.memory_space<semaphore_mem>>) src(%dma_wait3A_175 : memref<128x64xf32, #tpu.memory_space<vmem>>) dst(%dma_wait3A_171 : memref<128x64xf32, #tpu.memory_space<hbm>>)
    %add3A_176 = arith.constant 25344 : i32
    %add3A_177 = arith.addi %mul3A_2, %add3A_176 : i32
    %dma_wait3A_178 = arith.constant 6 : i32
    %dma_wait3A_179 = arith.constant 0 : i32
    %dma_wait3A_180 = arith.constant 0 : i32
    %dma_wait3A_181 = tpu.memref_slice %arg6[%dma_wait3A_178, %dma_wait3A_179, %dma_wait3A_180] : memref<8x128x64xf32, #tpu.memory_space<vmem>> -> memref<1x128x64xf32, #tpu.memory_space<vmem>>
    %dma_wait3A_182 = tpu.memref_squeeze %dma_wait3A_181 : memref<1x128x64xf32, #tpu.memory_space<vmem>> -> memref<128x64xf32, #tpu.memory_space<vmem>>
    %dma_wait3A_183 = arith.constant 0 : i32
    %dma_wait3A_184 = tpu.memref_slice %arg4[%add3A_177, %dma_wait3A_183] : memref<819200x64xf32, #tpu.memory_space<hbm>> -> memref<128x64xf32, #tpu.memory_space<hbm>>
    %dma_wait3A_185 = arith.constant 0 : i32
    %dma_wait3A_186 = tpu.memref_slice %arg4[%add3A_177, %dma_wait3A_185] : memref<819200x64xf32, #tpu.memory_space<hbm>> -> memref<128x64xf32, #tpu.memory_space<hbm>>
    %dma_wait3A_187 = arith.constant 0 : i32
    %dma_wait3A_188 = arith.constant 0 : i32
    %dma_wait3A_189 = tpu.memref_slice %arg6[%dma_wait3A_178, %dma_wait3A_187, %dma_wait3A_188] : memref<8x128x64xf32, #tpu.memory_space<vmem>> -> memref<1x128x64xf32, #tpu.memory_space<vmem>>
    %dma_wait3A_190 = tpu.memref_squeeze %dma_wait3A_189 : memref<1x128x64xf32, #tpu.memory_space<vmem>> -> memref<128x64xf32, #tpu.memory_space<vmem>>
    tpu.wait_dma2 semaphore(%arg21 : memref<!tpu.dma_semaphore, #tpu.memory_space<semaphore_mem>>) src(%dma_wait3A_190 : memref<128x64xf32, #tpu.memory_space<vmem>>) dst(%dma_wait3A_186 : memref<128x64xf32, #tpu.memory_space<hbm>>)
    %add3A_191 = arith.constant 25472 : i32
    %add3A_192 = arith.addi %mul3A_2, %add3A_191 : i32
    %dma_wait3A_193 = arith.constant 7 : i32
    %dma_wait3A_194 = arith.constant 0 : i32
    %dma_wait3A_195 = arith.constant 0 : i32
    %dma_wait3A_196 = tpu.memref_slice %arg6[%dma_wait3A_193, %dma_wait3A_194, %dma_wait3A_195] : memref<8x128x64xf32, #tpu.memory_space<vmem>> -> memref<1x128x64xf32, #tpu.memory_space<vmem>>
    %dma_wait3A_197 = tpu.memref_squeeze %dma_wait3A_196 : memref<1x128x64xf32, #tpu.memory_space<vmem>> -> memref<128x64xf32, #tpu.memory_space<vmem>>
    %dma_wait3A_198 = arith.constant 0 : i32
    %dma_wait3A_199 = tpu.memref_slice %arg4[%add3A_192, %dma_wait3A_198] : memref<819200x64xf32, #tpu.memory_space<hbm>> -> memref<128x64xf32, #tpu.memory_space<hbm>>
    %dma_wait3A_200 = arith.constant 0 : i32
    %dma_wait3A_201 = tpu.memref_slice %arg4[%add3A_192, %dma_wait3A_200] : memref<819200x64xf32, #tpu.memory_space<hbm>> -> memref<128x64xf32, #tpu.memory_space<hbm>>
    %dma_wait3A_202 = arith.constant 0 : i32
    %dma_wait3A_203 = arith.constant 0 : i32
    %dma_wait3A_204 = tpu.memref_slice %arg6[%dma_wait3A_193, %dma_wait3A_202, %dma_wait3A_203] : memref<8x128x64xf32, #tpu.memory_space<vmem>> -> memref<1x128x64xf32, #tpu.memory_space<vmem>>
    %dma_wait3A_205 = tpu.memref_squeeze %dma_wait3A_204 : memref<1x128x64xf32, #tpu.memory_space<vmem>> -> memref<128x64xf32, #tpu.memory_space<vmem>>
    tpu.wait_dma2 semaphore(%arg22 : memref<!tpu.dma_semaphore, #tpu.memory_space<semaphore_mem>>) src(%dma_wait3A_205 : memref<128x64xf32, #tpu.memory_space<vmem>>) dst(%dma_wait3A_201 : memref<128x64xf32, #tpu.memory_space<hbm>>)
    return
  }
}

</mosaic_0001>

<sc_bundles>
// kernel: kernel.3.cloned.1.call-start
scs
__scs_entry_jumppad:
0x0: {  	(pc) =	sbr.rel $0x88, $3  }
0x1: {  	(tag) =	ssettag $0x0;
	lr =	simm.s32 $0x1  }
0x2: {  	[smem:$0x3F9F] =	sst lr;
	_ =	strace $0xD0000000  }
0x3: {  	_ = 	snop  }
0x4: {  	_ = 	snop  }
0x5: {  	_ = 	snop  }
0x6: {  	_ = 	snop  }
0x7: {  	_ = 	snop  }
__scs_overlays_trampoline_lowered:
0x8: {  	[smem:$0x3FAE] =	sst s0  }
0x9: {  	[smem:$0x3FAF] =	sst s1  }
0xa: {  	[smem:$0x3FB0] =	sst s2  }
0xb: {  	[smem:$0x3FB1] =	sst s3  }
0xc: {  	[smem:$0x3FB2] =	sst s4  }
0xd: {  	[smem:$0x3FB3] =	sst s5  }
0xe: {  	[smem:$0x3FB4] =	sst s6  }
0xf: {  	[smem:$0x3FB5] =	sst s7  }
0x10: {  	[smem:$0x3FB6] =	sst s8  }
0x11: {  	[smem:$0x3FB7] =	sst s9;
	s0 =	simm.s32 @!p0 $0x0  }
0x12: {  	s1 =	sld [smem:$0x3F9D];
	s0 =	simm.s32 @p0 $0x1  }
0x13: {  	[smem:$0x3FB8] =	sst s0;
	s0 =	simm.s32 @!p1 $0x0  }
0x14: {  	s2 =	sld [smem:$0x3F9C];
	s0 =	simm.s32 @p1 $0x1  }
0x15: {  	[smem:$0x3FB9] =	sst s0;
	s0 =	simm.s32 @!p2 $0x0  }
0x16: {  	s3 =	sld [smem:$0x3FDB];
	s0 =	simm.s32 @p2 $0x1  }
0x17: {  	s4 =	simm.s32 $0x1BF5;
	[smem:$0x3FBB] =	sst s0  }
0x18: {  	s0 =	sld [smem:$0x3F9E];
	_ =	swait.ge [sflag:s4], $0x0  }
0x19: {  	s7 =	sld [smem:$0x3F9F]  }
0x1a: {  	s8 =	sadd.s32 $0xFFFFE003, lr  }
0x1b: {  	s9 =	sadd.s32 $0xFFFFFEF7, lr;
	s5 =	simm.s32 $0xFFFFFFFF;
	p2 =	slt.u32 s8, $0xFFFFF086  }
0x1c: {  	p1 =	slt.u32 s9, $0xF7A;
	s5 =	simm.s32 @!p2 $0x0  }
0x1d: {  	s5 =	simm.s32 @p1 $0x1;
	p0 =	seq.s32 s7, s2  }
0x1e: {  	s7 =	smul.u32 @!p0 $0xF7A, s2;
	p2 =	seq.s32 @!p0 s5, $0x0  }
0x1f: {  	s9 =	smul.u32 $0xF7A, s1;
	s8 =	simm.s32 @!p0 $0x1BF5;
	p2 =	por !p2, p0  }
0x20: {  	[sflag:s8] =	ssyncset.s32 @!p0 $0xFFFFF086;
	s6 =	sadd.s32 @!p0 s3, s7;
	s7 =	simm.s32 @!p0 $0x108  }
0x21: {  	s3 =	sadd.s32 s3, s9;
	s6 =	sadd.s32 @!p0 $0x88, s6;
	s7 =	simm.s32 @p2 $0x1082  }
0x22: {  	[simem:s7], [sflag:s8] =	dma.local @!p0 [hbm:s6], $0xF7A  }
0x23: {  	s9 =	sor.u32 $0xD0000000, s2;
	s6 =	simm.s32 $0x108;
	_ =	swait.ge @!p0 [sflag:s8], $0x0  }
0x24: {  	s3 =	sadd.s32 $0x88, s3;
	s6 =	simm.s32 @!p1 $0x1082;
	[sflag:s4] =	ssyncset.s32 $0xFFFFF086  }
0x25: {  	[simem:s6], [sflag:s4] =	dma.local [hbm:s3], $0xF7A  }
0x26: {  	[smem:$0x3F9F] =	sst s1;
	(tag) =	ssettag s2;
	_ =	strace s9  }
0x27: {  	s1 =	sld [smem:$0x3FAF]  }
0x28: {  	s2 =	sld [smem:$0x3FB0]  }
0x29: {  	s4 =	sld [smem:$0x3FB2]  }
0x2a: {  	p0 =	seq.s32 s5, $0x0;
	s5 =	sld [smem:$0x3FB3]  }
0x2b: {  	s6 =	sld [smem:$0x3FB4]  }
0x2c: {  	s7 =	sld [smem:$0x3FB5]  }
0x2d: {  	s3 =	simm.s32 $0x108;
	s8 =	sld [smem:$0x3FB6]  }
0x2e: {  	s3 =	simm.s32 @!p0 $0x1082;
	s9 =	sld [smem:$0x3FB7]  }
0x2f: {  	lr =	sadd.s32 s0, s3;
	s0 =	sld [smem:$0x3FAE]  }
0x30: {  	s3 =	sld [smem:$0x3FB1]  }
0x31: {  	[smem:$0x3FBA] =	sst s10  }
0x32: {  	s10 =	sld [smem:$0x3FB8];
	_ =	sdelay $0x3  }
0x33: {  	p0 =	seq.s32 s10, $0x1;
	s10 =	sld [smem:$0x3FBA];
	_ =	sdelay $0x3  }
0x34: {  	[smem:$0x3FBA] =	sst s10  }
0x35: {  	s10 =	sld [smem:$0x3FB9];
	_ =	sdelay $0x3  }
0x36: {  	p1 =	seq.s32 s10, $0x1;
	s10 =	sld [smem:$0x3FBA];
	_ =	sdelay $0x3  }
0x37: {  	[smem:$0x3FBA] =	sst s10  }
0x38: {  	s10 =	sld [smem:$0x3FBB]  }
0x39: {  	_ = 	snop;
	(pc) =	sbr.ind lr, $3  }
0x3a: {  	_ = 	snop  }
0x3b: {  	_ = 	snop  }
0x3c: {  	p2 =	seq.s32 s10, $0x1;
	s10 =	sld [smem:$0x3FBA]  }
0x3d: {  	_ =	shalt  }
0x3e: {  	_ =	shalt  }
0x3f: {  	_ =	shalt  }
0x40: {  	_ =	shalt  }
0x41: {  	_ =	shalt  }
0x42: {  	_ =	shalt  }
0x43: {  	_ =	shalt  }
0x44: {  	_ =	shalt  }
0x45: {  	_ =	shalt  }
0x46: {  	_ =	shalt  }
0x47: {  	_ =	shalt  }
0x48: {  	_ =	shalt  }
0x49: {  	_ =	shalt  }
0x4a: {  	_ =	shalt  }
0x4b: {  	_ =	shalt  }
0x4c: {  	_ =	shalt  }
0x4d: {  	_ =	shalt  }
0x4e: {  	_ =	shalt  }
0x4f: {  	_ =	shalt  }
0x50: {  	_ =	shalt  }
0x51: {  	_ =	shalt  }
0x52: {  	_ =	shalt  }
0x53: {  	_ =	shalt  }
0x54: {  	_ =	shalt  }
0x55: {  	_ =	shalt  }
0x56: {  	_ =	shalt  }
0x57: {  	_ =	shalt  }
0x58: {  	_ =	shalt  }
0x59: {  	_ =	shalt  }
0x5a: {  	_ =	shalt  }
0x5b: {  	_ =	shalt  }
0x5c: {  	_ =	shalt  }
0x5d: {  	_ =	shalt  }
0x5e: {  	_ =	shalt  }
0x5f: {  	_ =	shalt  }
0x60: {  	_ =	shalt  }
0x61: {  	_ =	shalt  }
0x62: {  	_ =	shalt  }
0x63: {  	_ =	shalt  }
0x64: {  	_ =	shalt  }
0x65: {  	_ =	shalt  }
0x66: {  	_ =	shalt  }
0x67: {  	_ =	shalt  }
0x68: {  	_ =	shalt  }
0x69: {  	_ =	shalt  }
0x6a: {  	_ =	shalt  }
0x6b: {  	_ =	shalt  }
0x6c: {  	_ =	shalt  }
0x6d: {  	_ =	shalt  }
0x6e: {  	_ =	shalt  }
0x6f: {  	_ =	shalt  }
0x70: {  	_ =	shalt  }
0x71: {  	_ =	shalt  }
0x72: {  	_ =	shalt  }
0x73: {  	_ =	shalt  }
0x74: {  	_ =	shalt  }
0x75: {  	_ =	shalt  }
0x76: {  	_ =	shalt  }
0x77: {  	_ =	shalt  }
0x78: {  	_ =	shalt  }
0x79: {  	_ =	shalt  }
0x7a: {  	_ =	shalt  }
0x7b: {  	_ =	shalt  }
0x7c: {  	_ =	shalt  }
0x7d: {  	_ =	shalt  }
0x7e: {  	_ =	shalt  }
0x7f: {  	_ =	shalt  }
0x80: {  	_ =	shalt  }
0x81: {  	_ =	shalt  }
0x82: {  	_ =	shalt  }
0x83: {  	_ =	shalt  }
0x84: {  	_ =	shalt  }
0x85: {  	_ =	shalt  }
0x86: {  	_ =	shalt  }
0x87: {  	_ =	shalt  }
.Lfunc_end0:
.L_simem_size_0:
called_computation.1_lowered:
.L_overlay_start_0:
0x88: {  	s2 =	sld [smem:$0x3FD9]  }
0x89: {  	s3 =	sld [smem:$0x3FFE];
	_ =	sdelay $0x1  }
0x8a: {  	s1 =	srdreg.scid  }
0x8b: {  	s0 =	sand.u32 $0x1, s1  }
0x8c: {  	s17 =	sshll.u32 s0, $0xA;
	s2 =	sadd.s32 s3, s2  }
0x8d: {  	s2 =	sadd.s32 s2, s17  }
0x8e: {  	[smem:$0x3FC6] =	sst s2  }
0x8f: {  	_ = 	snop  }
0x90: {  	s2 =	sld [smem:$0x3FD0];
	(tm) =	ssettm $0x1  }
0x91: {  	s18 =	sld [smem:$0x3FFB];
	_ =	sdelay $0x3  }
0x92: {  	_ =	strace s18  }
0x93: {  	s3 =	sld [smem:$0x3FFC];
	_ =	sdelay $0x3  }
0x94: {  	_ =	strace s3  }
0x95: {  	s3 =	sld [smem:$0x3FFD];
	_ =	sdelay $0x3  }
0x96: {  	_ =	strace s3  }
0x97: {  	_ =	strace $0x8FFFFFFF  }
0x98: {  	s19 =	sld [smem:$0x3FDB];
	_ =	sdelay $0x1  }
0x99: {  	s4 =	simm.s32 $_scs_section_size  }
0x9a: {  	s5 =	simm.s32 $_size__tile_overlayer_lowered;
	s6 =	simm.s32 $_tile_overlayer_lowered  }
0x9b: {  	s22 =	simm.s32 $0x1BFF;
	s21 =	sshll.u32 s6, $0x1;
	s3 =	sadd.s32 s4, s19  }
0x9c: {  	s7 =	simm.s32 $0x0;
	s20 =	sshll.u32 s5, $0x1;
	s5 =	sadd.s32 s21, s3  }
0x9d: {  	[timem:s7], [sflag:s22] =	dma.local [hbm:s5], s20  }
0x9e: {  	_ =	swait.ge [sflag:s22], s20  }
0x9f: {  	s4 =	ssub.s32 $0x0, s20;
	[sflag:s22] =	ssyncset.done $0x0  }
0xa0: {  	[sflag:s22] =	ssyncadd.s32 s4;
	_ =	sdelay $0x1  }
0xa1: {  	s23 =	simm.s32 $0x1B8B  }
0xa2: {  	_ =	swait.ge [sflag:s23], $0x1  }
0xa3: {  	[sflag:s23] =	ssyncset.done $0x0  }
0xa4: {  	s25 =	simm.s32 $0x1B8E;
	s24 =	sld [smem:$0x3FFE];
	[sflag:s23] =	ssyncadd.s32 $0xFFFFFFFF  }
0xa5: {  	s26 =	simm.s32 $execute0_lowered;
	[smem:$0x3FD2] =	sst s25  }
0xa6: {  	s5 =	sshll.u32 s26, $0x1;
	_ =	strace $0x80000046;
	[dreg:$0x1] =	wrdreg $0xFFFFFFFF  }
0xa7: {  	s28 =	simm.s32 $_size_execute0_lowered;
	s3 =	sadd.s32 s3, s5;
	[dreg:$0x0] =	wrdreg $0x0  }
0xa8: {  	s5 =	sshll.u32 s28, $0x1;
	[dreg:$0x2] =	wrdreg s3  }
0xa9: {  	[dreg:$0x3] =	wrdreg s5  }
0xaa: {  	[dreg:$0x4] =	wrdreg $0xC0  }
0xab: {  	_ =	task [dreg:s7], $0x5FFFF  }
0xac: {  	[dreg:$0x1] =	wrdreg $0xFFFFFFFF  }
0xad: {  	[dreg:$0x0] =	wrdreg $0x60  }
0xae: {  	[dreg:$0x2] =	wrdreg s24  }
0xaf: {  	[dreg:$0x3] =	wrdreg s2  }
0xb0: {  	[dreg:$0x4] =	wrdreg $0x9  }
0xb1: {  	_ =	task.clear_ibuf [dreg:s7], $0x5FFFF;
	_ =	strace $0x90000046  }
0xb2: {  	s29 =	simm.s32 $0x9;
	_ =	strace $0x80000048  }
0xb3: {  	_ =	swait.ge [sflag:s29], $0x1  }
0xb4: {  	[sflag:s29] =	ssyncadd.s32 $0xFFFFFFFF  }
0xb5: {  	_ =	strace $0x90000048  }
0xb6: {  	_ =	sfence  }
0xb7: {  	s30 =	sld [smem:$0x0];
	_ =	sdelay $0x2  }
0xb8: {  	s31 =	sshll.u32 s1, $0xD;
	s1 =	sshrl.u32 s1, $0x2  }
0xb9: {  	s3 =	sand.u32 $0x4000, s31;
	s1 =	sadd.s32 s1, s30  }
0xba: {  	s0 =	sor.u32 s3, s0;
	s1 =	sshll.u32 s1, $0x11  }
0xbb: {  	s0 =	sor.u32 s1, s0  }
0xbc: {  	s0 =	sadd.s32 $0x8F2B, s0  }
0xbd: {  	[sflag:s0] =	ssyncadd.remote.s32 $0x1  }
0xbe: {  	_ =	sfence.sel $0xFFFF  }
0xbf: {  	[dreg:$0x0] =	wrdreg $0xFFFFFFFF;
	(pc) =	sbr.abs _section_cstart, $3  }
0xc0: {  	[dreg:$0x1] =	wrdreg $0xFFFFFFFF  }
0xc1: {  	_ =	task.clear_ibuf [dreg:s7], $0x2FFFF;
	_ =	strace $0x9FFFFFFF  }
0xc2: {  	(tm) =	ssettm $0x7FFFFFFF  }
0xc3: {  	_ =	shalt  }
tec
execute0_lowered:
.L_overlay_start_1:
0x0: {  	(tag) =	ssettag $0x1  }
0x1: {  	s0 =	srdreg.scid  }
0x2: {  	s4 =	stileid.u32;
	s1 =	rddreg [dreg:$0x0];
	s3 =	simm.s32 $0x0  }
0x3: {  	s16 =	simm.s32 $0x80;
	s17 =	simm.s32 $0x6400;
	s29 =	simm.s32 $0x12400  }
0x4: {  	s31 =	simm.s32 $0x14400;
	s28 =	simm.s32 $0x8;
	s30 =	simm.s32 $0x9  }
0x5: {  	s15 =	simm.s32 $0xC;
	s10 =	simm.s32 $0x10;
	s12 =	simm.s32 $0x0  }
0x6: {  	s0 =	sand.u32 $0x1, s0;
	s2 =	sshll.u32 s4, $0x1;
	s5 =	smul.u32 $0x320000, s4  }
0x7: {  	[smem:$0x7FF] =	sst s3;
	s6 =	smul.u32 $0xC800, s4;
	s4 =	sadd.s32 $0xF42E00, s1  }
0x8: {  	s2 =	sor.u32 s0, s2;
	s7 =	ssub.s32 $0x2, s0;
	s8 =	smul.u32 $0x6400, s0  }
0x9: {  	_ =	strace $0x80000047;
	s0 =	smul.u32 $0x190000, s0;
	s9 =	sshrl.u32 s7, $0x1  }
0xa: {  	s2 =	smul.u32 $0x6400, s2;
	s18 =	ssub.s32 s7, s9;
	s6 =	sadd.s32 s8, s6  }
0xb: {  	s0 =	sadd.s32 s0, s5;
	s5 =	simm.s32 $0xA;
	s7 =	simm.s32 $0xD  }
0xc: {  	s2 =	sshrl.u32 s2, $0x3;
	s19 =	sshll.u32 s6, $0x3;
	s0 =	sshrl.u32 s0, $0x3  }
0xd: {  	s2 =	sadd.s32 s2, s1;
	s1 =	smax.u32 s18, $0x1;
	[dreg:$0x5] =	wrdreg s0  }
0xe: {  	s8 =	simm.s32 $0xE;
	s20 =	sor.u32 $0x1C00, s19;
	[dreg:$0x4] =	wrdreg s1  }
0xf: {  	s9 =	simm.s32 $0xF;
	s21 =	sor.u32 $0x1800, s19;
	[dreg:$0x6] =	wrdreg s20  }
0x10: {  	s6 =	simm.s32 $0xB;
	s22 =	sor.u32 $0x1400, s19;
	[dreg:$0x7] =	wrdreg s21  }
0x11: {  	s23 =	sor.u32 $0x1000, s19;
	s24 =	sor.u32 $0xC00, s19;
	[dreg:$0x8] =	wrdreg s22  }
0x12: {  	s25 =	sor.u32 $0x800, s19;
	s26 =	sor.u32 $0x400, s19;
	[dreg:$0x9] =	wrdreg s23  }
0x13: {  	s18 =	simm.s32 $0x8400;
	s0 =	simm.s32 $0x2;
	[dreg:$0xa] =	wrdreg s24  }
.Ltmp0:
0x14: {  	s19 =	simm.s32 $0x4;
	[dreg:$0xb] =	wrdreg s25;
	(pc) =	sbr.rel .LBB2_1-.Ltmp0, $4  }
0x15: {  	s2 =	sadd.s32 $0xA00, s2;
	[dreg:$0xc] =	wrdreg s26;
	s20 =	simm.s32 $0xA400  }
0x16: {  	s22 =	simm.s32 $0xC400;
	s24 =	simm.s32 $0xE400;
	s26 =	simm.s32 $0x10400  }
0x17: {  	s1 =	simm.s32 $0x1;
	s21 =	simm.s32 $0x5;
	s23 =	simm.s32 $0x6  }
0x18: {  	s25 =	simm.s32 $0x7;
	[dreg:$0x3] =	wrdreg s2;
	s2 =	simm.s32 $0x3  }
.LBB2_4:
0x19: {  	_ =	swait.ge [sflag:s5], $0x2000  }
0x1a: {  	[sflag:s5] =	ssyncset.done $0x0  }
0x1b: {  	[sflag:s5] =	ssyncadd.s32 $0xFFFFE000  }
0x1c: {  	_ =	swait.ge [sflag:s6], $0x2000  }
0x1d: {  	[sflag:s6] =	ssyncset.done $0x0  }
0x1e: {  	[sflag:s6] =	ssyncadd.s32 $0xFFFFE000  }
0x1f: {  	_ =	swait.ge [sflag:s15], $0x2000  }
0x20: {  	[sflag:s15] =	ssyncset.done $0x0  }
0x21: {  	[sflag:s15] =	ssyncadd.s32 $0xFFFFE000  }
0x22: {  	_ =	swait.ge [sflag:s7], $0x2000  }
0x23: {  	[sflag:s7] =	ssyncset.done $0x0  }
0x24: {  	[sflag:s7] =	ssyncadd.s32 $0xFFFFE000  }
0x25: {  	_ =	swait.ge [sflag:s8], $0x2000  }
0x26: {  	[sflag:s8] =	ssyncset.done $0x0  }
0x27: {  	[sflag:s8] =	ssyncadd.s32 $0xFFFFE000  }
0x28: {  	_ =	swait.ge [sflag:s9], $0x2000  }
0x29: {  	[sflag:s9] =	ssyncset.done $0x0  }
0x2a: {  	[sflag:s9] =	ssyncadd.s32 $0xFFFFE000  }
0x2b: {  	_ =	swait.ge [sflag:s10], $0x2000  }
0x2c: {  	s12 =	rddreg [dreg:$0xd]  }
0x2d: {  	s11 =	rddreg [dreg:$0x4];
	s12 =	sadd.s32 $0x1, s12  }
0x2e: {  	p0 =	sne.s32 s12, s11  }
.Ltmp1:
0x2f: {  	_ = 	snop;
	(pc) =	sbr.rel @!p0 .LBB2_5-.Ltmp1, $3  }
0x30: {  	_ =	sdelay $0x1  }
0x31: {  	[sflag:s10] =	ssyncset.done $0x0  }
0x32: {  	[sflag:s10] =	ssyncadd.s32 $0xFFFFE000  }
.LBB2_1:
0x33: {  	[dreg:$0xd] =	wrdreg s12  }
0x34: {  	s11 =	rddreg [dreg:$0x3];
	s14 =	simm.s32 $0x11  }
0x35: {  	[tilespmem:s3], [sflag:$0x11] =	stream.linear.gather [hbm4b:s11+s3], $0x6400, $0x38;
	[tilespmem:$0x16400] =	vst v63  }
0x36: {  	_ =	swait.ge [sflag:s14], $0x6400  }
0x37: {  	[sflag:s14] =	ssyncset.done $0x0  }
0x38: {  	[sflag:s14] =	ssyncadd.s32 $0xFFFF9C00  }
0x39: {  	[tilespmem:s17], [sflag:$0x1] =	stream.indirect.gather [hbm4b:s4+s16], $0x40, s3, s16, $0xb8;
	[tilespmem:$0x16400] =	vst v63  }
0x3a: {  	_ = 	snop  }
0x3b: {  	[tilespmem:s18], [sflag:$0x2] =	stream.indirect.gather [hbm4b:s4+s16], $0x40, s16, s16, $0xb8;
	[tilespmem:$0x16400] =	vst v63  }
0x3c: {  	s12 =	simm.s32 $0x100  }
0x3d: {  	[tilespmem:s20], [sflag:$0x3] =	stream.indirect.gather [hbm4b:s4+s16], $0x40, s12, s16, $0xb8;
	[tilespmem:$0x16400] =	vst v63  }
0x3e: {  	s13 =	simm.s32 $0x180  }
0x3f: {  	[tilespmem:s22], [sflag:$0x4] =	stream.indirect.gather [hbm4b:s4+s16], $0x40, s13, s16, $0xb8;
	[tilespmem:$0x16400] =	vst v63  }
0x40: {  	s14 =	simm.s32 $0x200  }
0x41: {  	[tilespmem:s24], [sflag:$0x5] =	stream.indirect.gather [hbm4b:s4+s16], $0x40, s14, s16, $0xb8;
	[tilespmem:$0x16400] =	vst v63  }
0x42: {  	s12 =	simm.s32 $0x280  }
0x43: {  	[tilespmem:s26], [sflag:$0x6] =	stream.indirect.gather [hbm4b:s4+s16], $0x40, s12, s16, $0xb8;
	[tilespmem:$0x16400] =	vst v63  }
0x44: {  	s13 =	simm.s32 $0x300  }
0x45: {  	[tilespmem:s29], [sflag:$0x7] =	stream.indirect.gather [hbm4b:s4+s16], $0x40, s13, s16, $0xb8;
	[tilespmem:$0x16400] =	vst v63  }
0x46: {  	s11 =	rddreg [dreg:$0x1];
	s14 =	simm.s32 $0x380;
	s12 =	simm.s32 $0x0  }
0x47: {  	[tilespmem:s31], [sflag:$0x8] =	stream.indirect.gather [hbm4b:s4+s16], $0x40, s14, s16, $0xb8;
	[tilespmem:$0x16400] =	vst v63  }
.LBB2_2:
0x48: {  	_ =	swait.ge [sflag:s1], $0x2000  }
0x49: {  	[sflag:s1] =	ssyncset.done $0x0;
	s13 =	rddreg [dreg:$0x5]  }
0x4a: {  	[sflag:s1] =	ssyncadd.s32 $0xFFFFE000;
	s13 =	sadd.s32 s11, s13  }
0x4b: {  	[hbm4b:s13+s3] =	stream.linear.scatter [tilespmem:s17], [sflag:$0x9], $0x2000, $0x38;
	[tilespmem:$0x16400] =	vst v63  }
0x4c: {  	_ =	swait.ge [sflag:s0], $0x2000  }
0x4d: {  	[sflag:s0] =	ssyncset.done $0x0;
	s14 =	rddreg [dreg:$0xc]  }
0x4e: {  	[sflag:s0] =	ssyncadd.s32 $0xFFFFE000;
	s13 =	sadd.s32 s11, s14  }
0x4f: {  	[hbm4b:s13+s3] =	stream.linear.scatter [tilespmem:s18], [sflag:$0xA], $0x2000, $0x38;
	[tilespmem:$0x16400] =	vst v63  }
0x50: {  	_ =	swait.ge [sflag:s2], $0x2000  }
0x51: {  	[sflag:s2] =	ssyncset.done $0x0;
	s14 =	rddreg [dreg:$0xb]  }
0x52: {  	[sflag:s2] =	ssyncadd.s32 $0xFFFFE000;
	s13 =	sadd.s32 s11, s14  }
0x53: {  	[hbm4b:s13+s3] =	stream.linear.scatter [tilespmem:s20], [sflag:$0xB], $0x2000, $0x38;
	[tilespmem:$0x16400] =	vst v63  }
0x54: {  	_ =	swait.ge [sflag:s19], $0x2000  }
0x55: {  	[sflag:s19] =	ssyncset.done $0x0;
	s14 =	rddreg [dreg:$0xa]  }
0x56: {  	[sflag:s19] =	ssyncadd.s32 $0xFFFFE000;
	s13 =	sadd.s32 s11, s14  }
0x57: {  	[hbm4b:s13+s3] =	stream.linear.scatter [tilespmem:s22], [sflag:$0xC], $0x2000, $0x38;
	[tilespmem:$0x16400] =	vst v63  }
0x58: {  	_ =	swait.ge [sflag:s21], $0x2000  }
0x59: {  	[sflag:s21] =	ssyncset.done $0x0;
	s14 =	rddreg [dreg:$0x9]  }
0x5a: {  	[sflag:s21] =	ssyncadd.s32 $0xFFFFE000;
	s13 =	sadd.s32 s11, s14  }
0x5b: {  	[hbm4b:s13+s3] =	stream.linear.scatter [tilespmem:s24], [sflag:$0xD], $0x2000, $0x38;
	[tilespmem:$0x16400] =	vst v63  }
0x5c: {  	_ =	swait.ge [sflag:s23], $0x2000  }
0x5d: {  	[sflag:s23] =	ssyncset.done $0x0;
	s14 =	rddreg [dreg:$0x8]  }
0x5e: {  	[sflag:s23] =	ssyncadd.s32 $0xFFFFE000;
	s13 =	sadd.s32 s11, s14  }
0x5f: {  	[hbm4b:s13+s3] =	stream.linear.scatter [tilespmem:s26], [sflag:$0xE], $0x2000, $0x38;
	[tilespmem:$0x16400] =	vst v63  }
0x60: {  	_ =	swait.ge [sflag:s25], $0x2000  }
0x61: {  	[sflag:s25] =	ssyncset.done $0x0;
	s14 =	rddreg [dreg:$0x7]  }
0x62: {  	[sflag:s25] =	ssyncadd.s32 $0xFFFFE000;
	s13 =	sadd.s32 s11, s14  }
0x63: {  	[hbm4b:s13+s3] =	stream.linear.scatter [tilespmem:s29], [sflag:$0xF], $0x2000, $0x38;
	[tilespmem:$0x16400] =	vst v63  }
0x64: {  	_ =	swait.ge [sflag:s28], $0x2000  }
0x65: {  	p0 =	seq.s32 s12, $0x18000;
	[sflag:s28] =	ssyncset.done $0x0;
	s14 =	rddreg [dreg:$0x6]  }
.Ltmp2:
0x66: {  	[sflag:s28] =	ssyncadd.s32 $0xFFFFE000;
	s13 =	sadd.s32 s11, s14;
	(pc) =	sbr.rel @p0 .LBB2_4-.Ltmp2, $4  }
0x67: {  	[hbm4b:s13+s3] =	stream.linear.scatter [tilespmem:s31], [sflag:$0x10], $0x2000, $0x38;
	[tilespmem:$0x16400] =	vst v63  }
0x68: {  	_ =	swait.ge [sflag:s30], $0x2000  }
0x69: {  	[sflag:s30] =	ssyncset.done $0x0  }
0x6a: {  	[sflag:s30] =	ssyncadd.s32 $0xFFFFE000  }
0x6b: {  	s13 =	sshra.s32 s12, $0x2  }
0x6c: {  	s14 =	sadd.s32 $0x400, s13  }
0x6d: {  	[tilespmem:s17], [sflag:$0x1] =	stream.indirect.gather [hbm4b:s4+s16], $0x40, s14, s16, $0xb8;
	[tilespmem:$0x16400] =	vst v63  }
0x6e: {  	_ =	swait.ge [sflag:s5], $0x2000  }
0x6f: {  	[sflag:s5] =	ssyncset.done $0x0  }
0x70: {  	s14 =	sadd.s32 $0x480, s13;
	[sflag:s5] =	ssyncadd.s32 $0xFFFFE000  }
0x71: {  	[tilespmem:s18], [sflag:$0x2] =	stream.indirect.gather [hbm4b:s4+s16], $0x40, s14, s16, $0xb8;
	[tilespmem:$0x16400] =	vst v63  }
0x72: {  	_ =	swait.ge [sflag:s6], $0x2000  }
0x73: {  	[sflag:s6] =	ssyncset.done $0x0  }
0x74: {  	s14 =	sadd.s32 $0x500, s13;
	[sflag:s6] =	ssyncadd.s32 $0xFFFFE000  }
0x75: {  	[tilespmem:s20], [sflag:$0x3] =	stream.indirect.gather [hbm4b:s4+s16], $0x40, s14, s16, $0xb8;
	[tilespmem:$0x16400] =	vst v63  }
0x76: {  	_ =	swait.ge [sflag:s15], $0x2000  }
0x77: {  	[sflag:s15] =	ssyncset.done $0x0  }
0x78: {  	s14 =	sadd.s32 $0x580, s13;
	[sflag:s15] =	ssyncadd.s32 $0xFFFFE000  }
0x79: {  	[tilespmem:s22], [sflag:$0x4] =	stream.indirect.gather [hbm4b:s4+s16], $0x40, s14, s16, $0xb8;
	[tilespmem:$0x16400] =	vst v63  }
0x7a: {  	_ =	swait.ge [sflag:s7], $0x2000  }
0x7b: {  	[sflag:s7] =	ssyncset.done $0x0  }
0x7c: {  	s14 =	sadd.s32 $0x600, s13;
	[sflag:s7] =	ssyncadd.s32 $0xFFFFE000  }
0x7d: {  	[tilespmem:s24], [sflag:$0x5] =	stream.indirect.gather [hbm4b:s4+s16], $0x40, s14, s16, $0xb8;
	[tilespmem:$0x16400] =	vst v63  }
0x7e: {  	_ =	swait.ge [sflag:s8], $0x2000  }
0x7f: {  	[sflag:s8] =	ssyncset.done $0x0  }
0x80: {  	s14 =	sadd.s32 $0x680, s13;
	[sflag:s8] =	ssyncadd.s32 $0xFFFFE000  }
0x81: {  	[tilespmem:s26], [sflag:$0x6] =	stream.indirect.gather [hbm4b:s4+s16], $0x40, s14, s16, $0xb8;
	[tilespmem:$0x16400] =	vst v63  }
0x82: {  	_ =	swait.ge [sflag:s9], $0x2000  }
0x83: {  	[sflag:s9] =	ssyncset.done $0x0  }
0x84: {  	s14 =	sadd.s32 $0x700, s13;
	[sflag:s9] =	ssyncadd.s32 $0xFFFFE000  }
0x85: {  	[tilespmem:s29], [sflag:$0x7] =	stream.indirect.gather [hbm4b:s4+s16], $0x40, s14, s16, $0xb8;
	[tilespmem:$0x16400] =	vst v63  }
.Ltmp3:
0x86: {  	_ = 	snop;
	(pc) =	sbr.rel .LBB2_2-.Ltmp3, $4  }
0x87: {  	_ =	swait.ge [sflag:s10], $0x2000  }
0x88: {  	s12 =	sadd.s32 $0x1000, s12;
	[sflag:s10] =	ssyncset.done $0x0  }
0x89: {  	s11 =	sadd.s32 $0x2000, s11;
	s13 =	sadd.s32 $0x780, s13;
	[sflag:s10] =	ssyncadd.s32 $0xFFFFE000  }
0x8a: {  	[tilespmem:s31], [sflag:$0x8] =	stream.indirect.gather [hbm4b:s4+s16], $0x40, s13, s16, $0xb8;
	[tilespmem:$0x16400] =	vst v63  }
.LBB2_5:
0x8b: {  	_ =	sfence.sel $0x180000  }
0x8c: {  	[bflag:$0x0] =	sbarrier.arrive $0xFFFF  }
0x8d: {  	_ =	strace $0x90000047  }
0x8e: {  	s0 =	stileid.u32;
	[bflag:$0x2] =	sbarrier.arrive $0xFFFF  }
0x8f: {  	p0 =	sne.s32 s0, $0x0;
	s0 =	rddreg [dreg:$0x2]  }
0x90: {  	s0 =	sadd.s32 @!p0 $0x100000, s0  }
0x91: {  	[sflag:s0] =	ssyncadd.tile.s32 @!p0 $0x1;
	_ =	shalt  }
.Lfunc_end2:
_tile_overlayer_lowered:
.L_overlay_start_2:
0x92: {  	(tag) =	ssettag $0x2  }
0x93: {  	s0 =	rddreg [dreg:$0x0];
	s2 =	stileid.u32  }
0x94: {  	s1 =	rddreg [dreg:$0x1];
	p0 =	sne.s32 s2, $0x0  }
0x95: {  	s3 =	rddreg [dreg:$0x2];
	[bflag:$0x3] =	sbarrier.arrive $0xFFFF;
	s2 =	simm.s32 @!p0 $0x1C11  }
0x96: {  	[timem:s3], [sflag:s2] =	dma.local @!p0 [hbm:s0], s1  }
0x97: {  	s0 =	simm.s32 @!p0 $0x11  }
0x98: {  	_ =	swait.ge @!p0 [sflag:s0], s1  }
0x99: {  	s1 =	ssub.s32 @!p0 $0x0, s1;
	[sflag:s0] =	ssyncset.done @!p0 $0x0  }
0x9a: {  	[sflag:s0] =	ssyncadd.s32 @!p0 s1  }
0x9b: {  	[bflag:$0x3] =	sbarrier.arrive $0xFFFF  }
0x9c: {  	_ =	shalt  }

// kernel: sparse-core-data-format-call.cloned.1.call-start
scs
called_computation_lowered:
.L_overlay_start_0:
0x0: {  	s2 =	sld [smem:$0x3FD9]  }
0x1: {  	s3 =	sld [smem:$0x3FFE];
	_ =	sdelay $0x1  }
0x2: {  	s1 =	srdreg.scid  }
0x3: {  	s0 =	sand.u32 $0x1, s1  }
0x4: {  	s18 =	sshll.u32 s0, $0xA;
	s2 =	sadd.s32 s3, s2  }
0x5: {  	s2 =	sadd.s32 s2, s18  }
0x6: {  	[smem:$0x3FC6] =	sst s2  }
0x7: {  	_ = 	snop  }
0x8: {  	s2 =	sld [smem:$0x3FD0];
	(tm) =	ssettm $0x1  }
0x9: {  	s19 =	sld [smem:$0x3FFB];
	_ =	sdelay $0x3  }
0xa: {  	_ =	strace s19  }
0xb: {  	s3 =	sld [smem:$0x3FFC];
	_ =	sdelay $0x3  }
0xc: {  	_ =	strace s3  }
0xd: {  	s3 =	sld [smem:$0x3FFD];
	_ =	sdelay $0x3  }
0xe: {  	_ =	strace s3  }
0xf: {  	_ =	strace $0x8FFFFFFF  }
0x10: {  	s20 =	sld [smem:$0x3FDB];
	_ =	sdelay $0x1  }
0x11: {  	s4 =	simm.s32 $_scs_section_size  }
0x12: {  	s5 =	simm.s32 $_size__tile_overlayer_lowered;
	s6 =	simm.s32 $_tile_overlayer_lowered  }
0x13: {  	s23 =	simm.s32 $0x1BFF;
	s22 =	sshll.u32 s6, $0x1;
	s3 =	sadd.s32 s4, s20  }
0x14: {  	s7 =	simm.s32 $0x0;
	s21 =	sshll.u32 s5, $0x1;
	s5 =	sadd.s32 s22, s3  }
0x15: {  	[timem:s7], [sflag:s23] =	dma.local [hbm:s5], s21  }
0x16: {  	_ =	swait.ge [sflag:s23], s21  }
0x17: {  	s4 =	ssub.s32 $0x0, s21;
	[sflag:s23] =	ssyncset.done $0x0  }
0x18: {  	[sflag:s23] =	ssyncadd.s32 s4;
	_ =	sdelay $0x1  }
0x19: {  	s24 =	simm.s32 $0x1B8B  }
0x1a: {  	_ =	swait.ge [sflag:s24], $0x1  }
0x1b: {  	[sflag:s24] =	ssyncset.done $0x0  }
0x1c: {  	s26 =	simm.s32 $0x1B8E;
	s25 =	sld [smem:$0x3FFE];
	[sflag:s24] =	ssyncadd.s32 $0xFFFFFFFF  }
0x1d: {  	s27 =	simm.s32 $execute0_lowered;
	[smem:$0x3FD2] =	sst s26  }
0x1e: {  	s5 =	sshll.u32 s27, $0x1;
	_ =	strace $0x80000049;
	[dreg:$0x1] =	wrdreg $0xFFFFFFFF  }
0x1f: {  	s28 =	simm.s32 $_size_execute0_lowered;
	s3 =	sadd.s32 s3, s5;
	[dreg:$0x0] =	wrdreg $0x0  }
0x20: {  	s5 =	sshll.u32 s28, $0x1;
	[dreg:$0x2] =	wrdreg s3  }
0x21: {  	[dreg:$0x3] =	wrdreg s5  }
0x22: {  	[dreg:$0x4] =	wrdreg $0xC0  }
0x23: {  	_ =	task [dreg:s7], $0x5FFFF  }
0x24: {  	[dreg:$0x1] =	wrdreg $0xFFFFFFFF  }
0x25: {  	[dreg:$0x0] =	wrdreg $0x60  }
0x26: {  	[dreg:$0x2] =	wrdreg s25  }
0x27: {  	[dreg:$0x3] =	wrdreg s2  }
0x28: {  	[dreg:$0x4] =	wrdreg $0x9  }
0x29: {  	_ =	task.clear_ibuf [dreg:s7], $0x5FFFF;
	_ =	strace $0x90000049  }
0x2a: {  	s29 =	simm.s32 $0x9;
	_ =	strace $0x8000004B  }
0x2b: {  	_ =	swait.ge [sflag:s29], $0x1  }
0x2c: {  	[sflag:s29] =	ssyncadd.s32 $0xFFFFFFFF  }
0x2d: {  	_ =	strace $0x9000004B  }
0x2e: {  	_ =	sfence  }
0x2f: {  	s30 =	sld [smem:$0x0];
	_ =	sdelay $0x2  }
0x30: {  	s31 =	sshll.u32 s1, $0xD;
	s1 =	sshrl.u32 s1, $0x2  }
0x31: {  	s3 =	sand.u32 $0x4000, s31;
	s1 =	sadd.s32 s1, s30  }
0x32: {  	s0 =	sor.u32 s3, s0;
	s1 =	sshll.u32 s1, $0x11  }
0x33: {  	s0 =	sor.u32 s1, s0  }
0x34: {  	s0 =	sadd.s32 $0x8F2B, s0  }
0x35: {  	[sflag:s0] =	ssyncadd.remote.s32 $0x1  }
0x36: {  	_ =	sfence.sel $0xFFFF  }
0x37: {  	[dreg:$0x0] =	wrdreg $0xFFFFFFFF;
	(pc) =	sbr.abs _section_cstart, $3  }
0x38: {  	[dreg:$0x1] =	wrdreg $0xFFFFFFFF  }
0x39: {  	_ =	task.clear_ibuf [dreg:s7], $0x2FFFF;
	_ =	strace $0x9FFFFFFF  }
0x3a: {  	(tm) =	ssettm $0x7FFFFFFF  }
0x3b: {  	_ =	shalt  }
tec
execute0_lowered:
.L_overlay_start_1:
0x0: {  	(tag) =	ssettag $0x1  }
0x1: {  	s0 =	srdreg.scid  }
0x2: {  	s1 =	sshll.u32 s0, $0x4  }
0x3: {  	s0 =	stileid.u32;
	s1 =	sand.u32 $0x10, s1  }
0x4: {  	s1 =	sor.u32 s0, s1  }
0x5: {  	s6 =	rddreg [dreg:$0x0];
	s4 =	simm.s32 $0x1;
	s2 =	sshll.u32 s1, $0x7  }
0x6: {  	s7 =	simm.s32 $0x2;
	s12 =	simm.s32 $0x0;
	s1 =	ssub.s32 $0x4000, s2  }
0x7: {  	s8 =	simm.s32 $0x20000;
	s13 =	simm.s32 $0x0;
	s3 =	sand.u32 $0xF80, s1  }
0x8: {  	s9 =	simm.s32 $0x0;
	s5 =	sshrl.u32 s1, $0xC;
	p0 =	sne.s32 s3, $0x0  }
.Ltmp0:
0x9: {  	s1 =	rddreg [dreg:$0x2];
	s4 =	simm.s32 @!p0 $0x0;
	(pc) =	sbr.rel .LBB1_1-.Ltmp0, $4  }
0xa: {  	s11 =	simm.s32 $0x0;
	s3 =	rddreg [dreg:$0x1];
	s5 =	sadd.s32 s4, s5  }
0xb: {  	_ =	strace $0x8000004A;
	s4 =	simm.s32 $0x1;
	s5 =	smul.u32 $0x32, s5  }
0xc: {  	s6 =	sadd.s32 $0xA00, s6;
	s10 =	smov.u32 s2;
	[sflag:s4] =	ssyncpa.u1 $0x0  }
0xd: {  	p0 =	por $0x0, $0x0;
	[sflag:s7] =	ssyncpa.u1 $0x0;
	s7 =	sor.u32 $0x1, s5  }
.LBB1_4:
0xe: {  	s16 =	sshll.u32 s13, $0x3;
	s17 =	sand.u32 $0x78, s13  }
0xf: {  	s30 =	sand.u32 $0x1F800, s13;
	s12 =	sshll.u32 s12, $0x11;
	s16 =	sand.u32 $0x3C00, s16  }
0x10: {  	[tilespmem:s15+$0x810 ss:$0x81] =	vst.msk $0xffff, v2;
	s31 =	sand.u32 $0x7, s13;
	s16 =	sor.u32 s17, s16;
	s17 =	sadd.s32 s3, s30  }
0x11: {  	[tilespmem:s15+$0x1020 ss:$0x81] =	vst.msk $0xffff, v0;
	s13 =	sshll.u32 s31, $0x12;
	s12 =	sadd.s32 s12, s17;
	s16 =	sshrl.u32 s16, $0x3  }
0x12: {  	[tilespmem:s15+$0x0 ss:$0x81] =	vst.msk $0xffff, v1;
	s13 =	sor.u32 $0x400, s13;
	s12 =	sadd.s32 s16, s12  }
0x13: {  	[hbm4b:s12+s13] =	stream.strided.scatter [tilespmem:s14], [sflag:$0x2], $0x2000, s8, s13, $0x20;
	[tilespmem:$0x8080] =	vst v63  }
.LBB1_5:
0x14: {  	s14 =	sadd.s32 $0x1, s9  }
0x15: {  	s12 =	sadd.s32 $0x1000, s10;
	s16 =	smov.u32 s10;
	p2 =	sgt.s32 s14, $0x31  }
0x16: {  	s16 =	smov.u32 @p2 s12  }
0x17: {  	s14 =	simm.s32 @p2 $0x0;
	p2 =	sgt.s32 s16, $0x3FFF  }
0x18: {  	s16 =	smov.u32 @p2 s2;
	p2 =	sne.s32 s11, s7  }
.Ltmp1:
0x19: {  	p1 =	slt.u32 s11, $0x2;
	(pc) =	sbr.rel @!p2 .LBB1_6-.Ltmp1, $4  }
0x1a: {  	s15 =	simm.s32 @!p1 $0x2  }
0x1b: {  	s13 =	smov.u32 s10;
	p0 =	por !p0, !p0;
	_ =	swait.ge @!p1 [sflag:s15], $0x2000  }
0x1c: {  	s12 =	smov.u32 s9;
	[sflag:s15] =	ssyncset.done @!p1 $0x0;
	s9 =	smov.u32 s14  }
0x1d: {  	s11 =	sadd.s32 $0x1, s11;
	[sflag:s15] =	ssyncadd.s32 @!p1 $0xFFFFE000;
	s10 =	smov.u32 s16  }
.LBB1_1:
0x1e: {  	p1 =	sge.u32 s11, s5  }
0x1f: {  	s14 =	sand.u32 @!p1 $0x1FFFFFF, s9  }
0x20: {  	s15 =	smulhi.u32 @!p1 $0x4924925, s14;
	_ =	sdelay $0x1  }
0x21: {  	s15 =	smul.u32 @!p1 $0x38, s15  }
0x22: {  	s16 =	sxor.u32 @!p1 $0xFFFFFFFF, s11;
	s17 =	smul.u32 @!p1 $0x380, s10  }
0x23: {  	s31 =	sadd.s32 $0xFFFFFFFF, s11;
	s16 =	sshll.u32 @!p1 s16, $0xD;
	s14 =	ssub.s32 @!p1 s14, s15  }
0x24: {  	s15 =	sand.u32 @!p1 $0x2000, s16;
	s16 =	sadd.s32 @!p1 s6, s17;
	s14 =	sshll.u32 @!p1 s14, $0x4  }
0x25: {  	s17 =	simm.s32 @!p1 $0x1C00;
	s14 =	sadd.s32 @!p1 s14, s16;
	s16 =	simm.s32 @!p1 $0x40  }
0x26: {  	[tilespmem:s15], [sflag:$0x1] =	stream.strided.gather @!p1 [hbm4b:s14+s16], $0x2000, s17, s16, $0x38;
	[tilespmem:$0x8080] =	vst v63  }
0x27: {  	p1 =	sge.u32 s31, s5  }
.Ltmp2:
0x28: {  	_ = 	snop;
	(pc) =	sbr.rel @p1 .LBB1_5-.Ltmp2, $1  }
0x29: {  	_ =	sdelay $0x3  }
0x2a: {  	s14 =	simm.s32 $0x1  }
0x2b: {  	_ =	swait.ge [sflag:s4], $0x2000;
	s14 =	simm.s32 @!p0 $0x0  }
0x2c: {  	[sflag:s4] =	ssyncset.done $0x0;
	s15 =	sshll.u32 s14, $0xD  }
0x2d: {  	[sflag:s4] =	ssyncadd.s32 $0xFFFFE000;
	s18 =	sor.u32 $0x20, s15  }
0x2e: {  	s14 =	smul.u32 $0x8100, s14;
	v3 =	vld [tilespmem:s18+$0x10]  }
0x2f: {  	s30 =	sand.u32 $0x1, s11;
	v2 =	vld [tilespmem:s18+$0xFFFFFFF0]  }
0x30: {  	s15 =	smul.u32 $0x8100, s30;
	s14 =	sshrl.u32 s14, $0x2;
	v0 =	vld [tilespmem:s18+$0x0]  }
0x31: {  	v1 =	vld [tilespmem:s18+$0xFFFFFFE0];
	s16 =	sor.u32 $0x4000, s14  }
0x32: {  	s31 =	sshrl.u32 s15, $0x2;
	s15 =	sadd.s32 $0x0, s16  }
0x33: {  	s17 =	simm.s32 $0x4;
	s18 =	sadd.s32 $0x40, s18;
	s14 =	sor.u32 $0x4000, s31;
	[tilespmem:s15+$0x1830 ss:$0x81] =	vst.msk $0xffff, v3  }
.LBB1_3:
0x34: {  	v3 =	vld [tilespmem:s18+$0x10];
	p1 =	sne.s32 s17, $0x1FC;
	[tilespmem:s15+$0x810 ss:$0x81] =	vst.msk $0xffff, v2;
	s19 =	smov.u32 s17;
	s17 =	sadd.s32 $0x4, s17  }
.Ltmp3:
0x35: {  	v2 =	vld [tilespmem:s18+$0xFFFFFFF0];
	[tilespmem:s15+$0x1020 ss:$0x81] =	vst.msk $0xffff, v0;
	(pc) =	sbr.rel @p1 .LBB1_3-.Ltmp3, $4  }
0x36: {  	v0 =	vld [tilespmem:s18+$0x0];
	[tilespmem:s15+$0x0 ss:$0x81] =	vst.msk $0xffff, v1  }
0x37: {  	s15 =	sshra.s32 s19, $0x2;
	v1 =	vld [tilespmem:s18+$0xFFFFFFE0]  }
0x38: {  	s15 =	sadd.s32 s15, s16  }
0x39: {  	s18 =	sadd.s32 $0x40, s18;
	[tilespmem:s15+$0x1830 ss:$0x81] =	vst.msk $0xffff, v3  }
.Ltmp4:
0x3a: {  	_ = 	snop;
	(pc) =	sbr.rel .LBB1_4-.Ltmp4, $1  }
0x3b: {  	_ =	sdelay $0x3  }
.LBB1_6:
0x3c: {  	_ =	sfence.sel $0x180000  }
0x3d: {  	s2 =	simm.s32 $0x1;
	[bflag:$0x0] =	sbarrier.arrive $0xFFFF  }
0x3e: {  	s31 =	simm.s32 $0x2;
	[sflag:s2] =	ssyncpa.u1 $0x1  }
0x3f: {  	[sflag:s31] =	ssyncpa.u1 $0x1  }
0x40: {  	p0 =	sne.s32 s0, $0x0;
	_ =	strace $0x9000004A  }
0x41: {  	s0 =	sadd.s32 @!p0 $0x100000, s1;
	[bflag:$0x2] =	sbarrier.arrive $0xFFFF  }
0x42: {  	[sflag:s0] =	ssyncadd.tile.s32 @!p0 $0x1;
	_ =	shalt  }
.Lfunc_end1:
_tile_overlayer_lowered:
.L_overlay_start_2:
0x43: {  	(tag) =	ssettag $0x2  }
0x44: {  	s0 =	rddreg [dreg:$0x0];
	s2 =	stileid.u32  }
0x45: {  	s1 =	rddreg [dreg:$0x1];
	p0 =	sne.s32 s2, $0x0  }
0x46: {  	s3 =	rddreg [dreg:$0x2];
	[bflag:$0x3] =	sbarrier.arrive $0xFFFF;
	s2 =	simm.s32 @!p0 $0x1C01  }
0x47: {  	[timem:s3], [sflag:s2] =	dma.local @!p0 [hbm:s0], s1  }
0x48: {  	s0 =	simm.s32 @!p0 $0x1  }
0x49: {  	_ =	swait.ge @!p0 [sflag:s0], s1  }
0x4a: {  	s1 =	ssub.s32 @!p0 $0x0, s1;
	[sflag:s0] =	ssyncset.done @!p0 $0x0  }
0x4b: {  	[sflag:s0] =	ssyncadd.s32 @!p0 s1  }
0x4c: {  	[bflag:$0x3] =	sbarrier.arrive $0xFFFF  }
0x4d: {  	_ =	shalt  }

</sc_bundles>
